<compile_context>
chip_gen: v7x
topology: tpu7x:2x2x1
jax: 0.10.2.dev20260603
libtpu: 0.0.44.dev20260713+nightly
codegen_flags: <defaults>
</compile_context>

<pallas_src>
import functools

import jax
import jax.numpy as jnp
import numpy as np
from jax import lax
from jax.experimental import pallas as pl
from jax.experimental.pallas import tpu as pltpu
from jax.experimental.pallas import tpu_sc as plsc

N = 10000
E = 160000
D_NODE = 16
D_EDGE = 4
D_OUT = 8
D_EMB = 16
H = 64
SILU_NORM = 1.6790

NC = 2
NS = 16

G_WORKERS = NC * NS
G_REAL = E // G_WORKERS
G_CHUNK = 128
G_NCHUNK = 40
G_PAD = G_NCHUNK * G_CHUNK

_gather_mesh = plsc.VectorSubcoreMesh(core_axis_name="c", subcore_axis_name="s")
_SC_PARAMS = pltpu.CompilerParams(use_tc_tiling_on_sc=False)


@functools.partial(
    pl.kernel,
    out_type=jax.ShapeDtypeStruct((E, D_NODE), jnp.float32),
    mesh=_gather_mesh,
    compiler_params=_SC_PARAMS,
    scratch_types=[
        pltpu.VMEM((G_PAD,), jnp.int32),
        pltpu.VMEM((G_PAD, D_NODE), jnp.float32),
        pltpu.VMEM_SHARED((N, D_NODE), jnp.float32),
        pltpu.SemaphoreType.DMA,
        pltpu.SemaphoreType.DMA,
        pltpu.SemaphoreType.DMA,
        pltpu.SemaphoreType.DMA,
    ],
)
def _gather_kernel(node_hbm, idx_hbm, out_hbm, idx_v, rows_v, node_sh,
                   sem1, sem2, osem1, osem2):
    sid = lax.axis_index("s")
    wid = sid * NC + lax.axis_index("c")

    @pl.when(sid == 0)
    def _stage():
        pltpu.sync_copy(node_hbm, node_sh)

    pltpu.sync_copy(idx_hbm.at[wid], idx_v)
    plsc.subcore_barrier()
    half = G_PAD // 2
    out_half = G_REAL // 2
    base = wid * G_REAL
    c1 = pltpu.async_copy(node_sh.at[idx_v.at[pl.ds(0, half)]],
                          rows_v.at[pl.ds(0, half)], sem1)
    c2 = pltpu.async_copy(node_sh.at[idx_v.at[pl.ds(half, half)]],
                          rows_v.at[pl.ds(half, half)], sem2)
    c1.wait()
    o1 = pltpu.async_copy(rows_v.at[pl.ds(0, out_half)],
                          out_hbm.at[pl.ds(base, out_half)], osem1)
    c2.wait()
    o2 = pltpu.async_copy(rows_v.at[pl.ds(out_half, G_REAL - out_half)],
                          out_hbm.at[pl.ds(base + out_half,
                                           G_REAL - out_half)], osem2)
    o1.wait()
    o2.wait()


B_EDGE = 4000


CTOT = D_NODE * D_EDGE * D_OUT

_PERMJ = np.empty((CTOT,), np.int64)
for _c in range(CTOT):
    _j, _m = _c >> 7, _c & 127
    _i, _k = _m >> 3, _m & 7
    _PERMJ[_c] = _i * 32 + _j * 8 + _k
_RX128 = np.repeat(np.eye(D_NODE, dtype=np.float32), D_OUT, axis=1)
_SEL128 = np.tile(np.eye(D_OUT, dtype=np.float32), (128 // D_OUT, 1))


def _tc_body(demb_ref, attr_ref, xg_ref, w1_ref, w2_ref, rx_ref, sel_ref,
             out_ref):
    h = jnp.dot(demb_ref[...], w1_ref[...], preferred_element_type=jnp.float32)
    h = h * jax.nn.sigmoid(h) * SILU_NORM
    tpw = jnp.dot(h.astype(jnp.bfloat16), w2_ref[...],
                  preferred_element_type=jnp.float32)
    a = attr_ref[...]
    s = tpw[:, 0:128] * a[:, 0:1]
    for j in range(1, D_EDGE):
        s = s + tpw[:, 128 * j:128 * (j + 1)] * a[:, j:j + 1]
    xr = jnp.dot(xg_ref[...], rx_ref[...], preferred_element_type=jnp.float32)
    s = s * xr
    out_ref[...] = jnp.dot(s, sel_ref[...],
                           preferred_element_type=jnp.float32)


def _tc_compute(demb, attr, xg, w1s, w2s):
    grid = (E // B_EDGE,)
    return pl.pallas_call(
        _tc_body,
        grid=grid,
        in_specs=[
            pl.BlockSpec((B_EDGE, D_EMB), lambda e: (e, 0)),
            pl.BlockSpec((B_EDGE, D_EDGE), lambda e: (e, 0)),
            pl.BlockSpec((B_EDGE, D_NODE), lambda e: (e, 0)),
            pl.BlockSpec((D_EMB, H), lambda e: (0, 0)),
            pl.BlockSpec((H, CTOT), lambda e: (0, 0)),
            pl.BlockSpec((D_NODE, 128), lambda e: (0, 0)),
            pl.BlockSpec((128, D_OUT), lambda e: (0, 0)),
        ],
        out_specs=pl.BlockSpec((B_EDGE, D_OUT), lambda e: (e, 0)),
        out_shape=jax.ShapeDtypeStruct((E, D_OUT), jnp.float32),
        compiler_params=pltpu.CompilerParams(
            dimension_semantics=("arbitrary",),
        ),
    )(demb, attr, xg, w1s, w2s, _RX128, _SEL128)


S_WORKERS = NS
S_REAL = E // S_WORKERS
S_CHUNK = 128
S_NCHUNK = 80
S_PAD = S_NCHUNK * S_CHUNK

_scatter_mesh = plsc.VectorSubcoreMesh(
    core_axis_name="c", subcore_axis_name="s", num_cores=1)


@functools.partial(
    pl.kernel,
    out_type=jax.ShapeDtypeStruct((N, D_OUT), jnp.float32),
    mesh=_scatter_mesh,
    compiler_params=_SC_PARAMS,
    scratch_types=[
        pltpu.VMEM((S_NCHUNK, S_CHUNK), jnp.int32),
        pltpu.VMEM((S_PAD, D_OUT), jnp.float32),
        pltpu.VMEM_SHARED((N, D_OUT), jnp.float32),
    ],
)
def _scatter_kernel(ef_hbm, idx_hbm, zeros_hbm, out_hbm, idx_v, ef_v, table):
    wid = lax.axis_index("s")
    pltpu.sync_copy(idx_hbm.at[wid], idx_v)
    pltpu.sync_copy(ef_hbm.at[pl.ds(wid * S_REAL, S_REAL)],
                    ef_v.at[pl.ds(0, S_REAL)])
    pltpu.sync_copy(zeros_hbm.at[pl.ds(0, S_PAD - S_REAL)],
                    ef_v.at[pl.ds(S_REAL, S_PAD - S_REAL)])

    @pl.when(wid == 0)
    def _init():
        pltpu.sync_copy(zeros_hbm, table)

    plsc.subcore_barrier()

    def body(j, carry):
        pltpu.sync_copy(ef_v.at[pl.ds(j * S_CHUNK, S_CHUNK)],
                        table.at[idx_v.at[j]], add=True)
        return carry

    lax.fori_loop(0, S_NCHUNK, body, 0)
    plsc.subcore_barrier()

    @pl.when(wid == 0)
    def _writeout():
        pltpu.sync_copy(table, out_hbm)




def _pad_indices(idx, workers, real, nchunk, chunk):
    idx = idx.astype(jnp.int32).reshape(workers, real)
    idx = jnp.pad(idx, ((0, 0), (0, nchunk * chunk - real)))
    return idx.reshape(workers, nchunk, chunk)


@jax.jit
def kernel(node_input, edge_src, edge_dst, edge_attr, dist_embedding, W1, W2):
    idx_dst = _pad_indices(edge_dst, G_WORKERS, G_REAL, G_NCHUNK,
                           G_CHUNK).reshape(G_WORKERS, G_PAD)
    xg = _gather_kernel(node_input, idx_dst)

    w1s = (W1 * (1.0 / jnp.sqrt(jnp.float32(D_EMB)))).astype(jnp.bfloat16)
    w2s = (W2 * (1.0 / 256.0))[:, _PERMJ].astype(jnp.bfloat16)
    ef = _tc_compute(dist_embedding.astype(jnp.bfloat16),
                     edge_attr.astype(jnp.bfloat16), xg, w1s, w2s)

    idx_src = _pad_indices(edge_src, S_WORKERS, S_REAL, S_NCHUNK, S_CHUNK)
    zeros = jnp.zeros((N, D_OUT), jnp.float32)
    return _scatter_kernel(ef, idx_src, zeros)

# --- scband reference (transcript-rebuilt; emitter-appended) ---
"""Pipeline reference for scband-convolution-75196287418639 (READ-ONLY COPY).

The authoritative reference and input builder live on the scoring server;
editing this copy changes nothing except your own understanding.
"""

import jax, jax.numpy as jnp
import numpy as np

# Scalar-irreps instantiation of the e3nn module:
#   irreps_node = '16x0e', irreps_filter = '4x0e', irreps_out = '8x0e'
# With only 0e (scalar) irreps, FullyConnectedTensorProduct reduces to a per-edge
# fully-connected bilinear form with weight_numel = 16*4*8 = 512 and e3nn
# 'element' path normalization 1/sqrt(mul_in1*mul_in2).
# FullyConnectedNet([16, 64, 512], silu) uses variance-scaled linear layers
# (w / sqrt(fan_in)) and moment-normalized silu (constant ~1.6790).

N = 10000
E = 160000
D_NODE = 16
D_EDGE = 4
D_OUT = 8
D_EMB = 16
H = 64
NUM_NEIGHBORS = 16.0
SILU_NORM = 1.6790  # normalize2mom constant for silu


def setup_inputs(seed: int = 0) -> dict:
    key = jax.random.key(seed)
    ks = jax.random.split(key, 7)
    node_input = jax.random.normal(ks[0], (N, D_NODE), dtype=jnp.float32)
    edge_src = jax.random.randint(ks[1], (E,), 0, N, dtype=jnp.int64 if jax.config.jax_enable_x64 else jnp.int32)
    edge_dst = jax.random.randint(ks[2], (E,), 0, N, dtype=jnp.int64 if jax.config.jax_enable_x64 else jnp.int32)
    edge_attr = jax.random.normal(ks[3], (E, D_EDGE), dtype=jnp.float32)
    dist_embedding = jax.random.normal(ks[4], (E, D_EMB), dtype=jnp.float32)
    # learned params (unit-variance storage, scaled in forward as in e3nn)
    W1 = jax.random.normal(ks[5], (D_EMB, H), dtype=jnp.float32)
    W2 = jax.random.normal(ks[6], (H, D_NODE * D_EDGE * D_OUT), dtype=jnp.float32)
    return {
        'node_input': node_input,
        'edge_src': edge_src,
        'edge_dst': edge_dst,
        'edge_attr': edge_attr,
        'dist_embedding': dist_embedding,
        'W1': W1,
        'W2': W2,
    }


def reference(node_input, edge_src, edge_dst, edge_attr, dist_embedding, W1, W2):
    # FullyConnectedNet: hidden layer with variance-scaled weights + normalized silu
    h = dist_embedding @ (W1 / jnp.sqrt(jnp.float32(D_EMB)))
    h = jax.nn.silu(h) * SILU_NORM
    # last layer: no activation
    tp_weights = h @ (W2 / jnp.sqrt(jnp.float32(H)))  # [E, 512]
    w = tp_weights.reshape(E, D_NODE, D_EDGE, D_OUT)
    # gather source-side node features (indexed by edge_dst as in the original code)
    x_gather = node_input[edge_dst]  # [E, 16]
    # FullyConnectedTensorProduct on scalar irreps: per-edge bilinear form
    edge_features = jnp.einsum('ei,ej,eijk->ek', x_gather, edge_attr, w)
    edge_features = edge_features / jnp.sqrt(jnp.float32(D_NODE * D_EDGE))
    # scatter-add over edge_src with dim_size = N
    node_features = jnp.zeros((N, D_OUT), dtype=node_input.dtype).at[edge_src].add(edge_features)
    node_features = node_features / jnp.sqrt(jnp.float32(NUM_NEIGHBORS))
    return node_features

if __name__ == "__main__":
    import jax
    _d = setup_inputs()
    print(jax.jit(kernel)(*tuple(_d.values())))

</pallas_src>

<mosaic_0001>
#map = affine_map<(d0, d1) -> (0, 0)>
module attributes {stable_mosaic.version = 14 : i64} {
  func.func @_gather_kernel(%arg0: i32, %arg1: i32, %arg2: memref<10000x16xf32, #tpu.memory_space<hbm>>, %arg3: memref<32x5120xi32, #tpu.memory_space<hbm>>, %arg4: memref<160000x16xf32, #tpu.memory_space<hbm>>, %arg5: memref<5120xi32, #tpu.memory_space<vmem>>, %arg6: memref<5120x16xf32, #tpu.memory_space<vmem>>, %arg7: memref<10000x16xf32, #tpu.memory_space<vmem_shared>>, %arg8: memref<!tpu.dma_semaphore, #tpu.memory_space<semaphore_mem>>, %arg9: memref<!tpu.dma_semaphore, #tpu.memory_space<semaphore_mem>>, %arg10: memref<!tpu.dma_semaphore, #tpu.memory_space<semaphore_mem>>, %arg11: memref<!tpu.dma_semaphore, #tpu.memory_space<semaphore_mem>>) attributes {dimension_semantics = [#tpu.dimension_semantics<core_parallel>, #tpu.dimension_semantics<subcore_parallel>], iteration_bounds = array<i64: 2, 16>, scalar_prefetch = 0 : i64, scratch_operands = 7 : i64, tpu.core_type = #tpu.core_type<sc_vector_subcore>, window_params = [{transform_indices = #map}, {transform_indices = #map}, {transform_indices = #map}]} {
    %mul3A = arith.constant 2 : i32
    %mul3A_0 = arith.muli %arg1, %mul3A : i32
    %add3A = arith.addi %mul3A_0, %arg0 : i32
    %eq3A = arith.constant 0 : i32
    %eq3A_1 = arith.cmpi eq, %arg1, %eq3A : i32
    %convert_element_type3A = arith.extui %eq3A_1 : i1 to i32
    %cond3A = arith.constant 0 : i32
    %cond3A_2 = arith.cmpi ne, %convert_element_type3A, %cond3A : i32
    scf.if %cond3A_2 {
      "tpu.region"() ({
        %run_scoped3A = tpu.sem_alloc : memref<!tpu.dma_semaphore, #tpu.memory_space<semaphore_mem>>
        tpu.enqueue_dma source(%arg2 : memref<10000x16xf32, #tpu.memory_space<hbm>>) target(%arg7 : memref<10000x16xf32, #tpu.memory_space<vmem_shared>>) target_semaphore(%run_scoped3A : memref<!tpu.dma_semaphore, #tpu.memory_space<semaphore_mem>>)
        tpu.wait_dma2 semaphore(%run_scoped3A : memref<!tpu.dma_semaphore, #tpu.memory_space<semaphore_mem>>) src(%arg2 : memref<10000x16xf32, #tpu.memory_space<hbm>>) dst(%arg7 : memref<10000x16xf32, #tpu.memory_space<vmem_shared>>)
        tpu.yield
      }) : () -> ()
    } else {
    }
    "tpu.region"() ({
      %run_scoped3A = tpu.sem_alloc : memref<!tpu.dma_semaphore, #tpu.memory_space<semaphore_mem>>
      %dma_start3A_77 = arith.constant 0 : i32
      %dma_start3A_78 = tpu.memref_slice %arg3[%add3A, %dma_start3A_77] : memref<32x5120xi32, #tpu.memory_space<hbm>> -> memref<1x5120xi32, #tpu.memory_space<hbm>>
      %dma_start3A_79 = tpu.memref_squeeze %dma_start3A_78 : memref<1x5120xi32, #tpu.memory_space<hbm>> -> memref<5120xi32, #tpu.memory_space<hbm>>
      %dma_start3A_80 = arith.constant 0 : i32
      %dma_start3A_81 = tpu.memref_slice %arg3[%add3A, %dma_start3A_80] : memref<32x5120xi32, #tpu.memory_space<hbm>> -> memref<1x5120xi32, #tpu.memory_space<hbm>>
      %dma_start3A_82 = tpu.memref_squeeze %dma_start3A_81 : memref<1x5120xi32, #tpu.memory_space<hbm>> -> memref<5120xi32, #tpu.memory_space<hbm>>
      tpu.enqueue_dma source(%dma_start3A_82 : memref<5120xi32, #tpu.memory_space<hbm>>) target(%arg5 : memref<5120xi32, #tpu.memory_space<vmem>>) target_semaphore(%run_scoped3A : memref<!tpu.dma_semaphore, #tpu.memory_space<semaphore_mem>>)
      %dma_wait3A_83 = arith.constant 0 : i32
      %dma_wait3A_84 = tpu.memref_slice %arg3[%add3A, %dma_wait3A_83] : memref<32x5120xi32, #tpu.memory_space<hbm>> -> memref<1x5120xi32, #tpu.memory_space<hbm>>
      %dma_wait3A_85 = tpu.memref_squeeze %dma_wait3A_84 : memref<1x5120xi32, #tpu.memory_space<hbm>> -> memref<5120xi32, #tpu.memory_space<hbm>>
      %dma_wait3A_86 = arith.constant 0 : i32
      %dma_wait3A_87 = tpu.memref_slice %arg3[%add3A, %dma_wait3A_86] : memref<32x5120xi32, #tpu.memory_space<hbm>> -> memref<1x5120xi32, #tpu.memory_space<hbm>>
      %dma_wait3A_88 = tpu.memref_squeeze %dma_wait3A_87 : memref<1x5120xi32, #tpu.memory_space<hbm>> -> memref<5120xi32, #tpu.memory_space<hbm>>
      tpu.wait_dma2 semaphore(%run_scoped3A : memref<!tpu.dma_semaphore, #tpu.memory_space<semaphore_mem>>) src(%dma_wait3A_88 : memref<5120xi32, #tpu.memory_space<hbm>>) dst(%arg5 : memref<5120xi32, #tpu.memory_space<vmem>>)
      tpu.yield
    }) : () -> ()
    %barrier3A = arith.constant 0 : index
    tpu.barrier barrier_id(%barrier3A)
    %mul3A_3 = arith.constant 5000 : i32
    %mul3A_4 = arith.muli %add3A, %mul3A_3 : i32
    %dma_start3A = arith.constant 0 : i32
    %dma_start3A_5 = arith.constant 0 : i32
    %dma_start3A_6 = tpu.memref_slice %arg6[%dma_start3A, %dma_start3A_5] : memref<5120x16xf32, #tpu.memory_space<vmem>> -> memref<2560x16xf32, #tpu.memory_space<vmem>>
    %dma_start3A_7 = arith.constant 0 : i32
    %dma_start3A_8 = tpu.memref_slice %arg5[%dma_start3A_7] : memref<5120xi32, #tpu.memory_space<vmem>> -> memref<2560xi32, #tpu.memory_space<vmem>>
    %dma_start3A_9 = arith.constant 0 : i32
    %dma_start3A_10 = arith.constant 0 : i32
    %dma_start3A_11 = tpu.memref_slice %arg7[%dma_start3A_9, %dma_start3A_10] : memref<10000x16xf32, #tpu.memory_space<vmem_shared>> -> memref<10000x16xf32, #tpu.memory_space<vmem_shared>>
    tpu.enqueue_indirect_dma source(%dma_start3A_11 : memref<10000x16xf32, #tpu.memory_space<vmem_shared>>) target(%dma_start3A_6 : memref<2560x16xf32, #tpu.memory_space<vmem>>) offsets(%dma_start3A_8 : memref<2560xi32, #tpu.memory_space<vmem>>) semaphore(%arg8 : memref<!tpu.dma_semaphore, #tpu.memory_space<semaphore_mem>>)
    %dma_start3A_12 = arith.constant 2560 : i32
    %dma_start3A_13 = arith.constant 0 : i32
    %dma_start3A_14 = tpu.memref_slice %arg6[%dma_start3A_12, %dma_start3A_13] : memref<5120x16xf32, #tpu.memory_space<vmem>> -> memref<2560x16xf32, #tpu.memory_space<vmem>>
    %dma_start3A_15 = arith.constant 2560 : i32
    %dma_start3A_16 = tpu.memref_slice %arg5[%dma_start3A_15] : memref<5120xi32, #tpu.memory_space<vmem>> -> memref<2560xi32, #tpu.memory_space<vmem>>
    %dma_start3A_17 = arith.constant 0 : i32
    %dma_start3A_18 = arith.constant 0 : i32
    %dma_start3A_19 = tpu.memref_slice %arg7[%dma_start3A_17, %dma_start3A_18] : memref<10000x16xf32, #tpu.memory_space<vmem_shared>> -> memref<10000x16xf32, #tpu.memory_space<vmem_shared>>
    tpu.enqueue_indirect_dma source(%dma_start3A_19 : memref<10000x16xf32, #tpu.memory_space<vmem_shared>>) target(%dma_start3A_14 : memref<2560x16xf32, #tpu.memory_space<vmem>>) offsets(%dma_start3A_16 : memref<2560xi32, #tpu.memory_space<vmem>>) semaphore(%arg9 : memref<!tpu.dma_semaphore, #tpu.memory_space<semaphore_mem>>)
    %dma_wait3A = arith.constant 0 : i32
    %dma_wait3A_20 = arith.constant 0 : i32
    %dma_wait3A_21 = tpu.memref_slice %arg6[%dma_wait3A, %dma_wait3A_20] : memref<5120x16xf32, #tpu.memory_space<vmem>> -> memref<2560x16xf32, #tpu.memory_space<vmem>>
    %dma_wait3A_22 = arith.constant 0 : i32
    %dma_wait3A_23 = tpu.memref_slice %arg5[%dma_wait3A_22] : memref<5120xi32, #tpu.memory_space<vmem>> -> memref<2560xi32, #tpu.memory_space<vmem>>
    %dma_wait3A_24 = arith.constant 0 : i32
    %dma_wait3A_25 = arith.constant 0 : i32
    %dma_wait3A_26 = tpu.memref_slice %arg7[%dma_wait3A_24, %dma_wait3A_25] : memref<10000x16xf32, #tpu.memory_space<vmem_shared>> -> memref<10000x16xf32, #tpu.memory_space<vmem_shared>>
    tpu.wait_indirect_dma semaphore(%arg8 : memref<!tpu.dma_semaphore, #tpu.memory_space<semaphore_mem>>) src(%dma_wait3A_26 : memref<10000x16xf32, #tpu.memory_space<vmem_shared>>) dst(%dma_wait3A_21 : memref<2560x16xf32, #tpu.memory_space<vmem>>)
    %dma_start3A_27 = arith.constant 0 : i32
    %dma_start3A_28 = arith.constant 0 : i32
    %dma_start3A_29 = tpu.memref_slice %arg6[%dma_start3A_27, %dma_start3A_28] : memref<5120x16xf32, #tpu.memory_space<vmem>> -> memref<2500x16xf32, #tpu.memory_space<vmem>>
    %dma_start3A_30 = arith.constant 0 : i32
    %dma_start3A_31 = tpu.memref_slice %arg4[%mul3A_4, %dma_start3A_30] : memref<160000x16xf32, #tpu.memory_space<hbm>> -> memref<2500x16xf32, #tpu.memory_space<hbm>>
    %dma_start3A_32 = arith.constant 0 : i32
    %dma_start3A_33 = tpu.memref_slice %arg4[%mul3A_4, %dma_start3A_32] : memref<160000x16xf32, #tpu.memory_space<hbm>> -> memref<2500x16xf32, #tpu.memory_space<hbm>>
    %dma_start3A_34 = arith.constant 0 : i32
    %dma_start3A_35 = arith.constant 0 : i32
    %dma_start3A_36 = tpu.memref_slice %arg6[%dma_start3A_34, %dma_start3A_35] : memref<5120x16xf32, #tpu.memory_space<vmem>> -> memref<2500x16xf32, #tpu.memory_space<vmem>>
    tpu.enqueue_dma source(%dma_start3A_36 : memref<2500x16xf32, #tpu.memory_space<vmem>>) target(%dma_start3A_33 : memref<2500x16xf32, #tpu.memory_space<hbm>>) target_semaphore(%arg10 : memref<!tpu.dma_semaphore, #tpu.memory_space<semaphore_mem>>)
    %dma_wait3A_37 = arith.constant 2560 : i32
    %dma_wait3A_38 = arith.constant 0 : i32
    %dma_wait3A_39 = tpu.memref_slice %arg6[%dma_wait3A_37, %dma_wait3A_38] : memref<5120x16xf32, #tpu.memory_space<vmem>> -> memref<2560x16xf32, #tpu.memory_space<vmem>>
    %dma_wait3A_40 = arith.constant 2560 : i32
    %dma_wait3A_41 = tpu.memref_slice %arg5[%dma_wait3A_40] : memref<5120xi32, #tpu.memory_space<vmem>> -> memref<2560xi32, #tpu.memory_space<vmem>>
    %dma_wait3A_42 = arith.constant 0 : i32
    %dma_wait3A_43 = arith.constant 0 : i32
    %dma_wait3A_44 = tpu.memref_slice %arg7[%dma_wait3A_42, %dma_wait3A_43] : memref<10000x16xf32, #tpu.memory_space<vmem_shared>> -> memref<10000x16xf32, #tpu.memory_space<vmem_shared>>
    tpu.wait_indirect_dma semaphore(%arg9 : memref<!tpu.dma_semaphore, #tpu.memory_space<semaphore_mem>>) src(%dma_wait3A_44 : memref<10000x16xf32, #tpu.memory_space<vmem_shared>>) dst(%dma_wait3A_39 : memref<2560x16xf32, #tpu.memory_space<vmem>>)
    %add3A_45 = arith.constant 2500 : i32
    %add3A_46 = arith.addi %mul3A_4, %add3A_45 : i32
    %dma_start3A_47 = arith.constant 2500 : i32
    %dma_start3A_48 = arith.constant 0 : i32
    %dma_start3A_49 = tpu.memref_slice %arg6[%dma_start3A_47, %dma_start3A_48] : memref<5120x16xf32, #tpu.memory_space<vmem>> -> memref<2500x16xf32, #tpu.memory_space<vmem>>
    %dma_start3A_50 = arith.constant 0 : i32
    %dma_start3A_51 = tpu.memref_slice %arg4[%add3A_46, %dma_start3A_50] : memref<160000x16xf32, #tpu.memory_space<hbm>> -> memref<2500x16xf32, #tpu.memory_space<hbm>>
    %dma_start3A_52 = arith.constant 0 : i32
    %dma_start3A_53 = tpu.memref_slice %arg4[%add3A_46, %dma_start3A_52] : memref<160000x16xf32, #tpu.memory_space<hbm>> -> memref<2500x16xf32, #tpu.memory_space<hbm>>
    %dma_start3A_54 = arith.constant 2500 : i32
    %dma_start3A_55 = arith.constant 0 : i32
    %dma_start3A_56 = tpu.memref_slice %arg6[%dma_start3A_54, %dma_start3A_55] : memref<5120x16xf32, #tpu.memory_space<vmem>> -> memref<2500x16xf32, #tpu.memory_space<vmem>>
    tpu.enqueue_dma source(%dma_start3A_56 : memref<2500x16xf32, #tpu.memory_space<vmem>>) target(%dma_start3A_53 : memref<2500x16xf32, #tpu.memory_space<hbm>>) target_semaphore(%arg11 : memref<!tpu.dma_semaphore, #tpu.memory_space<semaphore_mem>>)
    %dma_wait3A_57 = arith.constant 0 : i32
    %dma_wait3A_58 = arith.constant 0 : i32
    %dma_wait3A_59 = tpu.memref_slice %arg6[%dma_wait3A_57, %dma_wait3A_58] : memref<5120x16xf32, #tpu.memory_space<vmem>> -> memref<2500x16xf32, #tpu.memory_space<vmem>>
    %dma_wait3A_60 = arith.constant 0 : i32
    %dma_wait3A_61 = tpu.memref_slice %arg4[%mul3A_4, %dma_wait3A_60] : memref<160000x16xf32, #tpu.memory_space<hbm>> -> memref<2500x16xf32, #tpu.memory_space<hbm>>
    %dma_wait3A_62 = arith.constant 0 : i32
    %dma_wait3A_63 = tpu.memref_slice %arg4[%mul3A_4, %dma_wait3A_62] : memref<160000x16xf32, #tpu.memory_space<hbm>> -> memref<2500x16xf32, #tpu.memory_space<hbm>>
    %dma_wait3A_64 = arith.constant 0 : i32
    %dma_wait3A_65 = arith.constant 0 : i32
    %dma_wait3A_66 = tpu.memref_slice %arg6[%dma_wait3A_64, %dma_wait3A_65] : memref<5120x16xf32, #tpu.memory_space<vmem>> -> memref<2500x16xf32, #tpu.memory_space<vmem>>
    tpu.wait_dma2 semaphore(%arg10 : memref<!tpu.dma_semaphore, #tpu.memory_space<semaphore_mem>>) src(%dma_wait3A_66 : memref<2500x16xf32, #tpu.memory_space<vmem>>) dst(%dma_wait3A_63 : memref<2500x16xf32, #tpu.memory_space<hbm>>)
    %dma_wait3A_67 = arith.constant 2500 : i32
    %dma_wait3A_68 = arith.constant 0 : i32
    %dma_wait3A_69 = tpu.memref_slice %arg6[%dma_wait3A_67, %dma_wait3A_68] : memref<5120x16xf32, #tpu.memory_space<vmem>> -> memref<2500x16xf32, #tpu.memory_space<vmem>>
    %dma_wait3A_70 = arith.constant 0 : i32
    %dma_wait3A_71 = tpu.memref_slice %arg4[%add3A_46, %dma_wait3A_70] : memref<160000x16xf32, #tpu.memory_space<hbm>> -> memref<2500x16xf32, #tpu.memory_space<hbm>>
    %dma_wait3A_72 = arith.constant 0 : i32
    %dma_wait3A_73 = tpu.memref_slice %arg4[%add3A_46, %dma_wait3A_72] : memref<160000x16xf32, #tpu.memory_space<hbm>> -> memref<2500x16xf32, #tpu.memory_space<hbm>>
    %dma_wait3A_74 = arith.constant 2500 : i32
    %dma_wait3A_75 = arith.constant 0 : i32
    %dma_wait3A_76 = tpu.memref_slice %arg6[%dma_wait3A_74, %dma_wait3A_75] : memref<5120x16xf32, #tpu.memory_space<vmem>> -> memref<2500x16xf32, #tpu.memory_space<vmem>>
    tpu.wait_dma2 semaphore(%arg11 : memref<!tpu.dma_semaphore, #tpu.memory_space<semaphore_mem>>) src(%dma_wait3A_76 : memref<2500x16xf32, #tpu.memory_space<vmem>>) dst(%dma_wait3A_73 : memref<2500x16xf32, #tpu.memory_space<hbm>>)
    return
  }
}

#map = affine_map<(d0, d1) -> (0, 0)>
#map1 = affine_map<(d0, d1) -> (0, 0, 0)>
module attributes {stable_mosaic.version = 14 : i64} {
  func.func @_scatter_kernel(%arg0: i32, %arg1: i32, %arg2: memref<160000x8xf32, #tpu.memory_space<hbm>>, %arg3: memref<16x80x128xi32, #tpu.memory_space<hbm>>, %arg4: memref<10000x8xf32, #tpu.memory_space<hbm>>, %arg5: memref<10000x8xf32, #tpu.memory_space<hbm>>, %arg6: memref<80x128xi32, #tpu.memory_space<vmem>>, %arg7: memref<10240x8xf32, #tpu.memory_space<vmem>>, %arg8: memref<10000x8xf32, #tpu.memory_space<vmem_shared>>) attributes {dimension_semantics = [#tpu.dimension_semantics<core_parallel>, #tpu.dimension_semantics<subcore_parallel>], iteration_bounds = array<i64: 1, 16>, scalar_prefetch = 0 : i64, scratch_operands = 3 : i64, tpu.core_type = #tpu.core_type<sc_vector_subcore>, window_params = [{transform_indices = #map}, {transform_indices = #map1}, {transform_indices = #map}, {transform_indices = #map}]} {
    "tpu.region"() ({
      %run_scoped3A = tpu.sem_alloc : memref<!tpu.dma_semaphore, #tpu.memory_space<semaphore_mem>>
      %dma_start3A = arith.constant 0 : i32
      %dma_start3A_14 = arith.constant 0 : i32
      %dma_start3A_15 = tpu.memref_slice %arg3[%arg1, %dma_start3A, %dma_start3A_14] : memref<16x80x128xi32, #tpu.memory_space<hbm>> -> memref<1x80x128xi32, #tpu.memory_space<hbm>>
      %dma_start3A_16 = tpu.memref_squeeze %dma_start3A_15 : memref<1x80x128xi32, #tpu.memory_space<hbm>> -> memref<80x128xi32, #tpu.memory_space<hbm>>
      %dma_start3A_17 = arith.constant 0 : i32
      %dma_start3A_18 = arith.constant 0 : i32
      %dma_start3A_19 = tpu.memref_slice %arg3[%arg1, %dma_start3A_17, %dma_start3A_18] : memref<16x80x128xi32, #tpu.memory_space<hbm>> -> memref<1x80x128xi32, #tpu.memory_space<hbm>>
      %dma_start3A_20 = tpu.memref_squeeze %dma_start3A_19 : memref<1x80x128xi32, #tpu.memory_space<hbm>> -> memref<80x128xi32, #tpu.memory_space<hbm>>
      tpu.enqueue_dma source(%dma_start3A_20 : memref<80x128xi32, #tpu.memory_space<hbm>>) target(%arg6 : memref<80x128xi32, #tpu.memory_space<vmem>>) target_semaphore(%run_scoped3A : memref<!tpu.dma_semaphore, #tpu.memory_space<semaphore_mem>>)
      %dma_wait3A = arith.constant 0 : i32
      %dma_wait3A_21 = arith.constant 0 : i32
      %dma_wait3A_22 = tpu.memref_slice %arg3[%arg1, %dma_wait3A, %dma_wait3A_21] : memref<16x80x128xi32, #tpu.memory_space<hbm>> -> memref<1x80x128xi32, #tpu.memory_space<hbm>>
      %dma_wait3A_23 = tpu.memref_squeeze %dma_wait3A_22 : memref<1x80x128xi32, #tpu.memory_space<hbm>> -> memref<80x128xi32, #tpu.memory_space<hbm>>
      %dma_wait3A_24 = arith.constant 0 : i32
      %dma_wait3A_25 = arith.constant 0 : i32
      %dma_wait3A_26 = tpu.memref_slice %arg3[%arg1, %dma_wait3A_24, %dma_wait3A_25] : memref<16x80x128xi32, #tpu.memory_space<hbm>> -> memref<1x80x128xi32, #tpu.memory_space<hbm>>
      %dma_wait3A_27 = tpu.memref_squeeze %dma_wait3A_26 : memref<1x80x128xi32, #tpu.memory_space<hbm>> -> memref<80x128xi32, #tpu.memory_space<hbm>>
      tpu.wait_dma2 semaphore(%run_scoped3A : memref<!tpu.dma_semaphore, #tpu.memory_space<semaphore_mem>>) src(%dma_wait3A_27 : memref<80x128xi32, #tpu.memory_space<hbm>>) dst(%arg6 : memref<80x128xi32, #tpu.memory_space<vmem>>)
      tpu.yield
    }) : () -> ()
    %mul3A = arith.constant 10000 : i32
    %mul3A_0 = arith.muli %arg1, %mul3A : i32
    "tpu.region"() ({
      %run_scoped3A = tpu.sem_alloc : memref<!tpu.dma_semaphore, #tpu.memory_space<semaphore_mem>>
      %dma_start3A = arith.constant 0 : i32
      %dma_start3A_14 = arith.constant 0 : i32
      %dma_start3A_15 = tpu.memref_slice %arg7[%dma_start3A, %dma_start3A_14] : memref<10240x8xf32, #tpu.memory_space<vmem>> -> memref<10000x8xf32, #tpu.memory_space<vmem>>
      %dma_start3A_16 = arith.constant 0 : i32
      %dma_start3A_17 = tpu.memref_slice %arg2[%mul3A_0, %dma_start3A_16] : memref<160000x8xf32, #tpu.memory_space<hbm>> -> memref<10000x8xf32, #tpu.memory_space<hbm>>
      %dma_start3A_18 = arith.constant 0 : i32
      %dma_start3A_19 = arith.constant 0 : i32
      %dma_start3A_20 = tpu.memref_slice %arg7[%dma_start3A_18, %dma_start3A_19] : memref<10240x8xf32, #tpu.memory_space<vmem>> -> memref<10000x8xf32, #tpu.memory_space<vmem>>
      %dma_start3A_21 = arith.constant 0 : i32
      %dma_start3A_22 = tpu.memref_slice %arg2[%mul3A_0, %dma_start3A_21] : memref<160000x8xf32, #tpu.memory_space<hbm>> -> memref<10000x8xf32, #tpu.memory_space<hbm>>
      tpu.enqueue_dma source(%dma_start3A_22 : memref<10000x8xf32, #tpu.memory_space<hbm>>) target(%dma_start3A_20 : memref<10000x8xf32, #tpu.memory_space<vmem>>) target_semaphore(%run_scoped3A : memref<!tpu.dma_semaphore, #tpu.memory_space<semaphore_mem>>)
      %dma_wait3A = arith.constant 0 : i32
      %dma_wait3A_23 = arith.constant 0 : i32
      %dma_wait3A_24 = tpu.memref_slice %arg7[%dma_wait3A, %dma_wait3A_23] : memref<10240x8xf32, #tpu.memory_space<vmem>> -> memref<10000x8xf32, #tpu.memory_space<vmem>>
      %dma_wait3A_25 = arith.constant 0 : i32
      %dma_wait3A_26 = tpu.memref_slice %arg2[%mul3A_0, %dma_wait3A_25] : memref<160000x8xf32, #tpu.memory_space<hbm>> -> memref<10000x8xf32, #tpu.memory_space<hbm>>
      %dma_wait3A_27 = arith.constant 0 : i32
      %dma_wait3A_28 = arith.constant 0 : i32
      %dma_wait3A_29 = tpu.memref_slice %arg7[%dma_wait3A_27, %dma_wait3A_28] : memref<10240x8xf32, #tpu.memory_space<vmem>> -> memref<10000x8xf32, #tpu.memory_space<vmem>>
      %dma_wait3A_30 = arith.constant 0 : i32
      %dma_wait3A_31 = tpu.memref_slice %arg2[%mul3A_0, %dma_wait3A_30] : memref<160000x8xf32, #tpu.memory_space<hbm>> -> memref<10000x8xf32, #tpu.memory_space<hbm>>
      tpu.wait_dma2 semaphore(%run_scoped3A : memref<!tpu.dma_semaphore, #tpu.memory_space<semaphore_mem>>) src(%dma_wait3A_31 : memref<10000x8xf32, #tpu.memory_space<hbm>>) dst(%dma_wait3A_29 : memref<10000x8xf32, #tpu.memory_space<vmem>>)
      tpu.yield
    }) : () -> ()
    "tpu.region"() ({
      %run_scoped3A = tpu.sem_alloc : memref<!tpu.dma_semaphore, #tpu.memory_space<semaphore_mem>>
      %dma_start3A = arith.constant 10000 : i32
      %dma_start3A_14 = arith.constant 0 : i32
      %dma_start3A_15 = tpu.memref_slice %arg7[%dma_start3A, %dma_start3A_14] : memref<10240x8xf32, #tpu.memory_space<vmem>> -> memref<240x8xf32, #tpu.memory_space<vmem>>
      %dma_start3A_16 = arith.constant 0 : i32
      %dma_start3A_17 = arith.constant 0 : i32
      %dma_start3A_18 = tpu.memref_slice %arg4[%dma_start3A_16, %dma_start3A_17] : memref<10000x8xf32, #tpu.memory_space<hbm>> -> memref<240x8xf32, #tpu.memory_space<hbm>>
      %dma_start3A_19 = arith.constant 10000 : i32
      %dma_start3A_20 = arith.constant 0 : i32
      %dma_start3A_21 = tpu.memref_slice %arg7[%dma_start3A_19, %dma_start3A_20] : memref<10240x8xf32, #tpu.memory_space<vmem>> -> memref<240x8xf32, #tpu.memory_space<vmem>>
      %dma_start3A_22 = arith.constant 0 : i32
      %dma_start3A_23 = arith.constant 0 : i32
      %dma_start3A_24 = tpu.memref_slice %arg4[%dma_start3A_22, %dma_start3A_23] : memref<10000x8xf32, #tpu.memory_space<hbm>> -> memref<240x8xf32, #tpu.memory_space<hbm>>
      tpu.enqueue_dma source(%dma_start3A_24 : memref<240x8xf32, #tpu.memory_space<hbm>>) target(%dma_start3A_21 : memref<240x8xf32, #tpu.memory_space<vmem>>) target_semaphore(%run_scoped3A : memref<!tpu.dma_semaphore, #tpu.memory_space<semaphore_mem>>)
      %dma_wait3A = arith.constant 10000 : i32
      %dma_wait3A_25 = arith.constant 0 : i32
      %dma_wait3A_26 = tpu.memref_slice %arg7[%dma_wait3A, %dma_wait3A_25] : memref<10240x8xf32, #tpu.memory_space<vmem>> -> memref<240x8xf32, #tpu.memory_space<vmem>>
      %dma_wait3A_27 = arith.constant 0 : i32
      %dma_wait3A_28 = arith.constant 0 : i32
      %dma_wait3A_29 = tpu.memref_slice %arg4[%dma_wait3A_27, %dma_wait3A_28] : memref<10000x8xf32, #tpu.memory_space<hbm>> -> memref<240x8xf32, #tpu.memory_space<hbm>>
      %dma_wait3A_30 = arith.constant 10000 : i32
      %dma_wait3A_31 = arith.constant 0 : i32
      %dma_wait3A_32 = tpu.memref_slice %arg7[%dma_wait3A_30, %dma_wait3A_31] : memref<10240x8xf32, #tpu.memory_space<vmem>> -> memref<240x8xf32, #tpu.memory_space<vmem>>
      %dma_wait3A_33 = arith.constant 0 : i32
      %dma_wait3A_34 = arith.constant 0 : i32
      %dma_wait3A_35 = tpu.memref_slice %arg4[%dma_wait3A_33, %dma_wait3A_34] : memref<10000x8xf32, #tpu.memory_space<hbm>> -> memref<240x8xf32, #tpu.memory_space<hbm>>
      tpu.wait_dma2 semaphore(%run_scoped3A : memref<!tpu.dma_semaphore, #tpu.memory_space<semaphore_mem>>) src(%dma_wait3A_35 : memref<240x8xf32, #tpu.memory_space<hbm>>) dst(%dma_wait3A_32 : memref<240x8xf32, #tpu.memory_space<vmem>>)
      tpu.yield
    }) : () -> ()
    %eq3A = arith.constant 0 : i32
    %eq3A_1 = arith.cmpi eq, %arg1, %eq3A : i32
    %convert_element_type3A = arith.extui %eq3A_1 : i1 to i32
    %cond3A = arith.constant 0 : i32
    %cond3A_2 = arith.cmpi ne, %convert_element_type3A, %cond3A : i32
    scf.if %cond3A_2 {
      "tpu.region"() ({
        %run_scoped3A = tpu.sem_alloc : memref<!tpu.dma_semaphore, #tpu.memory_space<semaphore_mem>>
        tpu.enqueue_dma source(%arg4 : memref<10000x8xf32, #tpu.memory_space<hbm>>) target(%arg8 : memref<10000x8xf32, #tpu.memory_space<vmem_shared>>) target_semaphore(%run_scoped3A : memref<!tpu.dma_semaphore, #tpu.memory_space<semaphore_mem>>)
        tpu.wait_dma2 semaphore(%run_scoped3A : memref<!tpu.dma_semaphore, #tpu.memory_space<semaphore_mem>>) src(%arg4 : memref<10000x8xf32, #tpu.memory_space<hbm>>) dst(%arg8 : memref<10000x8xf32, #tpu.memory_space<vmem_shared>>)
        tpu.yield
      }) : () -> ()
    } else {
    }
    %barrier3A = arith.constant 0 : index
    tpu.barrier barrier_id(%barrier3A)
    %scan3A = arith.constant 0 : i32
    %scan3A_3 = arith.constant 0 : i32
    %scan3A_4 = arith.constant 80 : i32
    %scan3A_5 = arith.addi %scan3A_3, %scan3A_4 : i32
    %scan3A_6 = arith.constant 1 : i32
    scf.for %scan3A_14 = %scan3A_3 to %scan3A_5 step %scan3A_6  : i32 {
      %mul3A_15 = arith.constant 128 : i32
      %mul3A_16 = arith.muli %scan3A_14, %mul3A_15 : i32
      "tpu.region"() ({
        %run_scoped3A = tpu.sem_alloc : memref<!tpu.dma_semaphore, #tpu.memory_space<semaphore_mem>>
        %dma_start3A = arith.constant 0 : i32
        %dma_start3A_17 = tpu.memref_slice %arg7[%mul3A_16, %dma_start3A] : memref<10240x8xf32, #tpu.memory_space<vmem>> -> memref<128x8xf32, #tpu.memory_space<vmem>>
        %dma_start3A_18 = arith.constant 0 : i32
        %dma_start3A_19 = tpu.memref_slice %arg6[%scan3A_14, %dma_start3A_18] : memref<80x128xi32, #tpu.memory_space<vmem>> -> memref<1x128xi32, #tpu.memory_space<vmem>>
        %dma_start3A_20 = tpu.memref_squeeze %dma_start3A_19 : memref<1x128xi32, #tpu.memory_space<vmem>> -> memref<128xi32, #tpu.memory_space<vmem>>
        %dma_start3A_21 = arith.constant 0 : i32
        %dma_start3A_22 = arith.constant 0 : i32
        %dma_start3A_23 = tpu.memref_slice %arg8[%dma_start3A_21, %dma_start3A_22] : memref<10000x8xf32, #tpu.memory_space<vmem_shared>> -> memref<10000x8xf32, #tpu.memory_space<vmem_shared>>
        tpu.enqueue_indirect_dma source(%dma_start3A_17 : memref<128x8xf32, #tpu.memory_space<vmem>>) target(%dma_start3A_23 : memref<10000x8xf32, #tpu.memory_space<vmem_shared>>) offsets(%dma_start3A_20 : memref<128xi32, #tpu.memory_space<vmem>>) semaphore(%run_scoped3A : memref<!tpu.dma_semaphore, #tpu.memory_space<semaphore_mem>>) {add = true}
        %dma_wait3A = arith.constant 0 : i32
        %dma_wait3A_24 = tpu.memref_slice %arg7[%mul3A_16, %dma_wait3A] : memref<10240x8xf32, #tpu.memory_space<vmem>> -> memref<128x8xf32, #tpu.memory_space<vmem>>
        %dma_wait3A_25 = arith.constant 0 : i32
        %dma_wait3A_26 = tpu.memref_slice %arg6[%scan3A_14, %dma_wait3A_25] : memref<80x128xi32, #tpu.memory_space<vmem>> -> memref<1x128xi32, #tpu.memory_space<vmem>>
        %dma_wait3A_27 = tpu.memref_squeeze %dma_wait3A_26 : memref<1x128xi32, #tpu.memory_space<vmem>> -> memref<128xi32, #tpu.memory_space<vmem>>
        %dma_wait3A_28 = arith.constant 0 : i32
        %dma_wait3A_29 = arith.constant 0 : i32
        %dma_wait3A_30 = tpu.memref_slice %arg8[%dma_wait3A_28, %dma_wait3A_29] : memref<10000x8xf32, #tpu.memory_space<vmem_shared>> -> memref<10000x8xf32, #tpu.memory_space<vmem_shared>>
        tpu.wait_indirect_dma semaphore(%run_scoped3A : memref<!tpu.dma_semaphore, #tpu.memory_space<semaphore_mem>>) src(%dma_wait3A_24 : memref<128x8xf32, #tpu.memory_space<vmem>>) dst(%dma_wait3A_30 : memref<10000x8xf32, #tpu.memory_space<vmem_shared>>)
        tpu.yield
      }) : () -> ()
    }
    %scan3A_7 = arith.constant 80 : i32
    %barrier3A_8 = arith.constant 0 : index
    tpu.barrier barrier_id(%barrier3A_8)
    %eq3A_9 = arith.constant 0 : i32
    %eq3A_10 = arith.cmpi eq, %arg1, %eq3A_9 : i32
    %convert_element_type3A_11 = arith.extui %eq3A_10 : i1 to i32
    %cond3A_12 = arith.constant 0 : i32
    %cond3A_13 = arith.cmpi ne, %convert_element_type3A_11, %cond3A_12 : i32
    scf.if %cond3A_13 {
      "tpu.region"() ({
        %run_scoped3A = tpu.sem_alloc : memref<!tpu.dma_semaphore, #tpu.memory_space<semaphore_mem>>
        tpu.enqueue_dma source(%arg8 : memref<10000x8xf32, #tpu.memory_space<vmem_shared>>) target(%arg5 : memref<10000x8xf32, #tpu.memory_space<hbm>>) target_semaphore(%run_scoped3A : memref<!tpu.dma_semaphore, #tpu.memory_space<semaphore_mem>>)
        tpu.wait_dma2 semaphore(%run_scoped3A : memref<!tpu.dma_semaphore, #tpu.memory_space<semaphore_mem>>) src(%arg8 : memref<10000x8xf32, #tpu.memory_space<vmem_shared>>) dst(%arg5 : memref<10000x8xf32, #tpu.memory_space<hbm>>)
        tpu.yield
      }) : () -> ()
    } else {
    }
    return
  }
}

module attributes {stable_mosaic.version = 14 : i64} {
  func.func @_tc_body(%arg0: i32, %arg1: memref<4000x16xbf16, #tpu.memory_space<vmem>>, %arg2: memref<4000x4xbf16, #tpu.memory_space<vmem>>, %arg3: memref<4000x16xf32, #tpu.memory_space<vmem>>, %arg4: memref<16x64xbf16, #tpu.memory_space<vmem>>, %arg5: memref<64x512xbf16, #tpu.memory_space<vmem>>, %arg6: memref<16x128xf32, #tpu.memory_space<vmem>>, %arg7: memref<128x8xf32, #tpu.memory_space<vmem>>, %arg8: memref<4000x8xf32, #tpu.memory_space<vmem>>) attributes {dimension_semantics = [#tpu.dimension_semantics<arbitrary>], iteration_bounds = array<i64: 40>, scalar_prefetch = 0 : i64, scratch_operands = 0 : i64, tpu.core_type = #tpu.core_type<tc>, window_params = [{transform_indices = @transform_0, window_bounds = array<i64: 4000, 16>}, {transform_indices = @transform_1, window_bounds = array<i64: 4000, 4>}, {transform_indices = @transform_2, window_bounds = array<i64: 4000, 16>}, {pipeline_mode = #tpu.pipeline_mode<synchronous>, transform_indices = @transform_3, window_bounds = array<i64: 16, 64>}, {pipeline_mode = #tpu.pipeline_mode<synchronous>, transform_indices = @transform_4, window_bounds = array<i64: 64, 512>}, {pipeline_mode = #tpu.pipeline_mode<synchronous>, transform_indices = @transform_5, window_bounds = array<i64: 16, 128>}, {pipeline_mode = #tpu.pipeline_mode<synchronous>, transform_indices = @transform_6, window_bounds = array<i64: 128, 8>}, {transform_indices = @transform_7, window_bounds = array<i64: 4000, 8>}]} {
    %get3A = arith.constant 0 : index
    %get3A_0 = arith.constant 0 : index
    %get3A_1 = vector.load %arg1[%get3A, %get3A_0] : memref<4000x16xbf16, #tpu.memory_space<vmem>>, vector<4000x16xbf16>
    %get3A_2 = arith.constant 0 : index
    %get3A_3 = arith.constant 0 : index
    %get3A_4 = vector.load %arg4[%get3A_2, %get3A_3] : memref<16x64xbf16, #tpu.memory_space<vmem>>, vector<16x64xbf16>
    %dot_general3A = arith.constant dense<0.000000e+00> : vector<4000x64xf32>
    %dot_general3A_5 = tpu.matmul %get3A_1, %get3A_4, %dot_general3A {dimension_numbers = #tpu.dot_dimension_numbers<[1], [0], [0], [1], [0, 0, 1, 1], [], []>, transpose_lhs_hint = false} : vector<4000x16xbf16>, vector<16x64xbf16>, vector<4000x64xf32> -> vector<4000x64xf32>
    %logistic3A = arith.negf %dot_general3A_5 : vector<4000x64xf32>
    %logistic3A_6 = math.exp %logistic3A : vector<4000x64xf32>
    %logistic3A_7 = arith.constant 1.000000e+00 : f32
    %logistic3A_8 = vector.broadcast %logistic3A_7 : f32 to vector<4000x64xf32>
    %logistic3A_9 = arith.addf %logistic3A_8, %logistic3A_6 : vector<4000x64xf32>
    %logistic3A_10 = arith.divf %logistic3A_8, %logistic3A_9 : vector<4000x64xf32>
    %mul3A = arith.mulf %dot_general3A_5, %logistic3A_10 : vector<4000x64xf32>
    %mul3A_11 = arith.constant 1.679000e+00 : f32
    %mul3A_12 = vector.broadcast %mul3A_11 : f32 to vector<4000x64xf32>
    %mul3A_13 = arith.mulf %mul3A, %mul3A_12 : vector<4000x64xf32>
    %convert_element_type3A = arith.truncf %mul3A_13 : vector<4000x64xf32> to vector<4000x64xbf16>
    %get3A_14 = arith.constant 0 : index
    %get3A_15 = arith.constant 0 : index
    %get3A_16 = vector.load %arg5[%get3A_14, %get3A_15] : memref<64x512xbf16, #tpu.memory_space<vmem>>, vector<64x512xbf16>
    %dot_general3A_17 = arith.constant dense<0.000000e+00> : vector<4000x512xf32>
    %dot_general3A_18 = tpu.matmul %convert_element_type3A, %get3A_16, %dot_general3A_17 {dimension_numbers = #tpu.dot_dimension_numbers<[1], [0], [0], [1], [0, 0, 1, 1], [], []>, transpose_lhs_hint = false} : vector<4000x64xbf16>, vector<64x512xbf16>, vector<4000x512xf32> -> vector<4000x512xf32>
    %get3A_19 = arith.constant 0 : index
    %get3A_20 = arith.constant 0 : index
    %get3A_21 = vector.load %arg2[%get3A_19, %get3A_20] : memref<4000x4xbf16, #tpu.memory_space<vmem>>, vector<4000x4xbf16>
    %slice3A = vector.extract_strided_slice %dot_general3A_18 {offsets = [0, 0], sizes = [4000, 128], strides = [1, 1]} : vector<4000x512xf32> to vector<4000x128xf32>
    %slice3A_22 = vector.extract_strided_slice %get3A_21 {offsets = [0, 0], sizes = [4000, 1], strides = [1, 1]} : vector<4000x4xbf16> to vector<4000x1xbf16>
    %convert_element_type3A_23 = arith.extf %slice3A_22 : vector<4000x1xbf16> to vector<4000x1xf32>
    %mul3A_24 = vector.broadcast %convert_element_type3A_23 : vector<4000x1xf32> to vector<4000x128xf32>
    %mul3A_25 = arith.mulf %slice3A, %mul3A_24 : vector<4000x128xf32>
    %slice3A_26 = vector.extract_strided_slice %dot_general3A_18 {offsets = [0, 128], sizes = [4000, 128], strides = [1, 1]} : vector<4000x512xf32> to vector<4000x128xf32>
    %slice3A_27 = vector.extract_strided_slice %get3A_21 {offsets = [0, 1], sizes = [4000, 1], strides = [1, 1]} : vector<4000x4xbf16> to vector<4000x1xbf16>
    %convert_element_type3A_28 = arith.extf %slice3A_27 : vector<4000x1xbf16> to vector<4000x1xf32>
    %mul3A_29 = vector.broadcast %convert_element_type3A_28 : vector<4000x1xf32> to vector<4000x128xf32>
    %mul3A_30 = arith.mulf %slice3A_26, %mul3A_29 : vector<4000x128xf32>
    %add3A = arith.addf %mul3A_25, %mul3A_30 : vector<4000x128xf32>
    %slice3A_31 = vector.extract_strided_slice %dot_general3A_18 {offsets = [0, 256], sizes = [4000, 128], strides = [1, 1]} : vector<4000x512xf32> to vector<4000x128xf32>
    %slice3A_32 = vector.extract_strided_slice %get3A_21 {offsets = [0, 2], sizes = [4000, 1], strides = [1, 1]} : vector<4000x4xbf16> to vector<4000x1xbf16>
    %convert_element_type3A_33 = arith.extf %slice3A_32 : vector<4000x1xbf16> to vector<4000x1xf32>
    %mul3A_34 = vector.broadcast %convert_element_type3A_33 : vector<4000x1xf32> to vector<4000x128xf32>
    %mul3A_35 = arith.mulf %slice3A_31, %mul3A_34 : vector<4000x128xf32>
    %add3A_36 = arith.addf %add3A, %mul3A_35 : vector<4000x128xf32>
    %slice3A_37 = vector.extract_strided_slice %dot_general3A_18 {offsets = [0, 384], sizes = [4000, 128], strides = [1, 1]} : vector<4000x512xf32> to vector<4000x128xf32>
    %slice3A_38 = vector.extract_strided_slice %get3A_21 {offsets = [0, 3], sizes = [4000, 1], strides = [1, 1]} : vector<4000x4xbf16> to vector<4000x1xbf16>
    %convert_element_type3A_39 = arith.extf %slice3A_38 : vector<4000x1xbf16> to vector<4000x1xf32>
    %mul3A_40 = vector.broadcast %convert_element_type3A_39 : vector<4000x1xf32> to vector<4000x128xf32>
    %mul3A_41 = arith.mulf %slice3A_37, %mul3A_40 : vector<4000x128xf32>
    %add3A_42 = arith.addf %add3A_36, %mul3A_41 : vector<4000x128xf32>
    %get3A_43 = arith.constant 0 : index
    %get3A_44 = arith.constant 0 : index
    %get3A_45 = vector.load %arg3[%get3A_43, %get3A_44] : memref<4000x16xf32, #tpu.memory_space<vmem>>, vector<4000x16xf32>
    %get3A_46 = arith.constant 0 : index
    %get3A_47 = arith.constant 0 : index
    %get3A_48 = vector.load %arg6[%get3A_46, %get3A_47] : memref<16x128xf32, #tpu.memory_space<vmem>>, vector<16x128xf32>
    %dot_general3A_49 = arith.constant dense<0.000000e+00> : vector<4000x128xf32>
    %dot_general3A_50 = tpu.matmul %get3A_45, %get3A_48, %dot_general3A_49 {dimension_numbers = #tpu.dot_dimension_numbers<[1], [0], [0], [1], [0, 0, 1, 1], [], []>, transpose_lhs_hint = false} : vector<4000x16xf32>, vector<16x128xf32>, vector<4000x128xf32> -> vector<4000x128xf32>
    %mul3A_51 = arith.mulf %add3A_42, %dot_general3A_50 : vector<4000x128xf32>
    %get3A_52 = arith.constant 0 : index
    %get3A_53 = arith.constant 0 : index
    %get3A_54 = vector.load %arg7[%get3A_52, %get3A_53] : memref<128x8xf32, #tpu.memory_space<vmem>>, vector<128x8xf32>
    %dot_general3A_55 = arith.constant dense<0.000000e+00> : vector<4000x8xf32>
    %dot_general3A_56 = tpu.matmul %mul3A_51, %get3A_54, %dot_general3A_55 {dimension_numbers = #tpu.dot_dimension_numbers<[1], [0], [0], [1], [0, 0, 1, 1], [], []>, transpose_lhs_hint = false} : vector<4000x128xf32>, vector<128x8xf32>, vector<4000x8xf32> -> vector<4000x8xf32>
    %swap3A = arith.constant 0 : index
    %swap3A_57 = arith.constant 0 : index
    %swap3A_58 = vector.load %arg8[%swap3A, %swap3A_57] : memref<4000x8xf32, #tpu.memory_space<vmem>>, vector<4000x8xf32>
    tpu.vector_store %arg8[%swap3A, %swap3A_57], %dot_general3A_56 {strides = array<i32>} : memref<4000x8xf32, #tpu.memory_space<vmem>>, vector<4000x8xf32>,
    return
  }
  func.func @transform_0(%arg0: i32) -> (i32, i32) {
    %c0_i32 = arith.constant 0 : i32
    %c0_i32_0 = arith.constant 0 : i32
    return %arg0, %c0_i32 : i32, i32
  }
  func.func @transform_1(%arg0: i32) -> (i32, i32) {
    %c0_i32 = arith.constant 0 : i32
    %c0_i32_0 = arith.constant 0 : i32
    return %arg0, %c0_i32 : i32, i32
  }
  func.func @transform_2(%arg0: i32) -> (i32, i32) {
    %c0_i32 = arith.constant 0 : i32
    %c0_i32_0 = arith.constant 0 : i32
    return %arg0, %c0_i32 : i32, i32
  }
  func.func @transform_3(%arg0: i32) -> (i32, i32) {
    %c0_i32 = arith.constant 0 : i32
    %c0_i32_0 = arith.constant 0 : i32
    %c0_i32_1 = arith.constant 0 : i32
    return %c0_i32, %c0_i32_0 : i32, i32
  }
  func.func @transform_4(%arg0: i32) -> (i32, i32) {
    %c0_i32 = arith.constant 0 : i32
    %c0_i32_0 = arith.constant 0 : i32
    %c0_i32_1 = arith.constant 0 : i32
    return %c0_i32, %c0_i32_0 : i32, i32
  }
  func.func @transform_5(%arg0: i32) -> (i32, i32) {
    %c0_i32 = arith.constant 0 : i32
    %c0_i32_0 = arith.constant 0 : i32
    %c0_i32_1 = arith.constant 0 : i32
    return %c0_i32, %c0_i32_0 : i32, i32
  }
  func.func @transform_6(%arg0: i32) -> (i32, i32) {
    %c0_i32 = arith.constant 0 : i32
    %c0_i32_0 = arith.constant 0 : i32
    %c0_i32_1 = arith.constant 0 : i32
    return %c0_i32, %c0_i32_0 : i32, i32
  }
  func.func @transform_7(%arg0: i32) -> (i32, i32) {
    %c0_i32 = arith.constant 0 : i32
    %c0_i32_0 = arith.constant 0 : i32
    return %arg0, %c0_i32 : i32, i32
  }
}

</mosaic_0001>

<sc_bundles>
// kernel: kernel.5.cloned.1.call-start
scs
__scs_entry_jumppad:
0x0: {  	(pc) =	sbr.rel $0x88, $3  }
0x1: {  	(tag) =	ssettag $0x0;
	lr =	simm.s32 $0x1  }
0x2: {  	[smem:$0x3F9A] =	sst lr;
	_ =	strace $0xD0000000  }
0x3: {  	_ = 	snop  }
0x4: {  	_ = 	snop  }
0x5: {  	_ = 	snop  }
0x6: {  	_ = 	snop  }
0x7: {  	_ = 	snop  }
__scs_overlays_trampoline_lowered:
0x8: {  	[smem:$0x3FA9] =	sst s0  }
0x9: {  	[smem:$0x3FAA] =	sst s1  }
0xa: {  	[smem:$0x3FAB] =	sst s2  }
0xb: {  	[smem:$0x3FAC] =	sst s3  }
0xc: {  	[smem:$0x3FAD] =	sst s4  }
0xd: {  	[smem:$0x3FAE] =	sst s5  }
0xe: {  	[smem:$0x3FAF] =	sst s6  }
0xf: {  	[smem:$0x3FB0] =	sst s7  }
0x10: {  	[smem:$0x3FB1] =	sst s8  }
0x11: {  	[smem:$0x3FB2] =	sst s9;
	s0 =	simm.s32 @!p0 $0x0  }
0x12: {  	s1 =	sld [smem:$0x3F98];
	s0 =	simm.s32 @p0 $0x1  }
0x13: {  	[smem:$0x3FB3] =	sst s0;
	s0 =	simm.s32 @!p1 $0x0  }
0x14: {  	s2 =	sld [smem:$0x3F97];
	s0 =	simm.s32 @p1 $0x1  }
0x15: {  	[smem:$0x3FB4] =	sst s0;
	s0 =	simm.s32 @!p2 $0x0  }
0x16: {  	s3 =	sld [smem:$0x3FDB];
	s0 =	simm.s32 @p2 $0x1  }
0x17: {  	s4 =	simm.s32 $0x1BF5;
	[smem:$0x3FB6] =	sst s0  }
0x18: {  	s0 =	sld [smem:$0x3F99];
	_ =	swait.ge [sflag:s4], $0x0  }
0x19: {  	s7 =	sld [smem:$0x3F9A]  }
0x1a: {  	s8 =	sadd.s32 $0xFFFFE003, lr  }
0x1b: {  	s9 =	sadd.s32 $0xFFFFFEF7, lr;
	s5 =	simm.s32 $0xFFFFFFFF;
	p2 =	slt.u32 s8, $0xFFFFF086  }
0x1c: {  	p1 =	slt.u32 s9, $0xF7A;
	s5 =	simm.s32 @!p2 $0x0  }
0x1d: {  	s5 =	simm.s32 @p1 $0x1;
	p0 =	seq.s32 s7, s2  }
0x1e: {  	s7 =	smul.u32 @!p0 $0xF7A, s2;
	p2 =	seq.s32 @!p0 s5, $0x0  }
0x1f: {  	s9 =	smul.u32 $0xF7A, s1;
	s8 =	simm.s32 @!p0 $0x1BF5;
	p2 =	por !p2, p0  }
0x20: {  	[sflag:s8] =	ssyncset.s32 @!p0 $0xFFFFF086;
	s6 =	sadd.s32 @!p0 s3, s7;
	s7 =	simm.s32 @!p0 $0x108  }
0x21: {  	s3 =	sadd.s32 s3, s9;
	s6 =	sadd.s32 @!p0 $0x88, s6;
	s7 =	simm.s32 @p2 $0x1082  }
0x22: {  	[simem:s7], [sflag:s8] =	dma.local @!p0 [hbm:s6], $0xF7A  }
0x23: {  	s9 =	sor.u32 $0xD0000000, s2;
	s6 =	simm.s32 $0x108;
	_ =	swait.ge @!p0 [sflag:s8], $0x0  }
0x24: {  	s3 =	sadd.s32 $0x88, s3;
	s6 =	simm.s32 @!p1 $0x1082;
	[sflag:s4] =	ssyncset.s32 $0xFFFFF086  }
0x25: {  	[simem:s6], [sflag:s4] =	dma.local [hbm:s3], $0xF7A  }
0x26: {  	[smem:$0x3F9A] =	sst s1;
	(tag) =	ssettag s2;
	_ =	strace s9  }
0x27: {  	s1 =	sld [smem:$0x3FAA]  }
0x28: {  	s2 =	sld [smem:$0x3FAB]  }
0x29: {  	s4 =	sld [smem:$0x3FAD]  }
0x2a: {  	p0 =	seq.s32 s5, $0x0;
	s5 =	sld [smem:$0x3FAE]  }
0x2b: {  	s6 =	sld [smem:$0x3FAF]  }
0x2c: {  	s7 =	sld [smem:$0x3FB0]  }
0x2d: {  	s3 =	simm.s32 $0x108;
	s8 =	sld [smem:$0x3FB1]  }
0x2e: {  	s3 =	simm.s32 @!p0 $0x1082;
	s9 =	sld [smem:$0x3FB2]  }
0x2f: {  	lr =	sadd.s32 s0, s3;
	s0 =	sld [smem:$0x3FA9]  }
0x30: {  	s3 =	sld [smem:$0x3FAC]  }
0x31: {  	[smem:$0x3FB5] =	sst s10  }
0x32: {  	s10 =	sld [smem:$0x3FB3];
	_ =	sdelay $0x3  }
0x33: {  	p0 =	seq.s32 s10, $0x1;
	s10 =	sld [smem:$0x3FB5];
	_ =	sdelay $0x3  }
0x34: {  	[smem:$0x3FB5] =	sst s10  }
0x35: {  	s10 =	sld [smem:$0x3FB4];
	_ =	sdelay $0x3  }
0x36: {  	p1 =	seq.s32 s10, $0x1;
	s10 =	sld [smem:$0x3FB5];
	_ =	sdelay $0x3  }
0x37: {  	[smem:$0x3FB5] =	sst s10  }
0x38: {  	s10 =	sld [smem:$0x3FB6]  }
0x39: {  	_ = 	snop;
	(pc) =	sbr.ind lr, $3  }
0x3a: {  	_ = 	snop  }
0x3b: {  	_ = 	snop  }
0x3c: {  	p2 =	seq.s32 s10, $0x1;
	s10 =	sld [smem:$0x3FB5]  }
0x3d: {  	_ =	shalt  }
0x3e: {  	_ =	shalt  }
0x3f: {  	_ =	shalt  }
0x40: {  	_ =	shalt  }
0x41: {  	_ =	shalt  }
0x42: {  	_ =	shalt  }
0x43: {  	_ =	shalt  }
0x44: {  	_ =	shalt  }
0x45: {  	_ =	shalt  }
0x46: {  	_ =	shalt  }
0x47: {  	_ =	shalt  }
0x48: {  	_ =	shalt  }
0x49: {  	_ =	shalt  }
0x4a: {  	_ =	shalt  }
0x4b: {  	_ =	shalt  }
0x4c: {  	_ =	shalt  }
0x4d: {  	_ =	shalt  }
0x4e: {  	_ =	shalt  }
0x4f: {  	_ =	shalt  }
0x50: {  	_ =	shalt  }
0x51: {  	_ =	shalt  }
0x52: {  	_ =	shalt  }
0x53: {  	_ =	shalt  }
0x54: {  	_ =	shalt  }
0x55: {  	_ =	shalt  }
0x56: {  	_ =	shalt  }
0x57: {  	_ =	shalt  }
0x58: {  	_ =	shalt  }
0x59: {  	_ =	shalt  }
0x5a: {  	_ =	shalt  }
0x5b: {  	_ =	shalt  }
0x5c: {  	_ =	shalt  }
0x5d: {  	_ =	shalt  }
0x5e: {  	_ =	shalt  }
0x5f: {  	_ =	shalt  }
0x60: {  	_ =	shalt  }
0x61: {  	_ =	shalt  }
0x62: {  	_ =	shalt  }
0x63: {  	_ =	shalt  }
0x64: {  	_ =	shalt  }
0x65: {  	_ =	shalt  }
0x66: {  	_ =	shalt  }
0x67: {  	_ =	shalt  }
0x68: {  	_ =	shalt  }
0x69: {  	_ =	shalt  }
0x6a: {  	_ =	shalt  }
0x6b: {  	_ =	shalt  }
0x6c: {  	_ =	shalt  }
0x6d: {  	_ =	shalt  }
0x6e: {  	_ =	shalt  }
0x6f: {  	_ =	shalt  }
0x70: {  	_ =	shalt  }
0x71: {  	_ =	shalt  }
0x72: {  	_ =	shalt  }
0x73: {  	_ =	shalt  }
0x74: {  	_ =	shalt  }
0x75: {  	_ =	shalt  }
0x76: {  	_ =	shalt  }
0x77: {  	_ =	shalt  }
0x78: {  	_ =	shalt  }
0x79: {  	_ =	shalt  }
0x7a: {  	_ =	shalt  }
0x7b: {  	_ =	shalt  }
0x7c: {  	_ =	shalt  }
0x7d: {  	_ =	shalt  }
0x7e: {  	_ =	shalt  }
0x7f: {  	_ =	shalt  }
0x80: {  	_ =	shalt  }
0x81: {  	_ =	shalt  }
0x82: {  	_ =	shalt  }
0x83: {  	_ =	shalt  }
0x84: {  	_ =	shalt  }
0x85: {  	_ =	shalt  }
0x86: {  	_ =	shalt  }
0x87: {  	_ =	shalt  }
.Lfunc_end0:
.L_simem_size_0:
called_computation_lowered:
.L_overlay_start_0:
0x88: {  	s2 =	sld [smem:$0x3FD9]  }
0x89: {  	s3 =	sld [smem:$0x3FFE];
	_ =	sdelay $0x1  }
0x8a: {  	s1 =	srdreg.scid  }
0x8b: {  	s0 =	sand.u32 $0x1, s1  }
0x8c: {  	s16 =	sshll.u32 s0, $0xA;
	s2 =	sadd.s32 s3, s2  }
0x8d: {  	s2 =	sadd.s32 s2, s16  }
0x8e: {  	[smem:$0x3FC1] =	sst s2  }
0x8f: {  	_ = 	snop  }
0x90: {  	(tm) =	ssettm $0x1  }
0x91: {  	s17 =	sld [smem:$0x3FFB];
	_ =	sdelay $0x3  }
0x92: {  	_ =	strace s17  }
0x93: {  	s2 =	sld [smem:$0x3FFC];
	_ =	sdelay $0x3  }
0x94: {  	_ =	strace s2  }
0x95: {  	s2 =	sld [smem:$0x3FFD];
	_ =	sdelay $0x3  }
0x96: {  	_ =	strace s2  }
0x97: {  	_ =	strace $0x8FFFFFFF  }
0x98: {  	s18 =	sld [smem:$0x3FDB];
	_ =	sdelay $0x1  }
0x99: {  	s19 =	simm.s32 $_scs_section_size  }
0x9a: {  	s4 =	simm.s32 $_size__tile_overlayer_lowered;
	s5 =	simm.s32 $_tile_overlayer_lowered  }
0x9b: {  	s22 =	simm.s32 $0x1BFF;
	s21 =	sshll.u32 s5, $0x1;
	s2 =	sadd.s32 s19, s18  }
0x9c: {  	s6 =	simm.s32 $0x0;
	s20 =	sshll.u32 s4, $0x1;
	s4 =	sadd.s32 s21, s2  }
0x9d: {  	[timem:s6], [sflag:s22] =	dma.local [hbm:s4], s20  }
0x9e: {  	_ =	swait.ge [sflag:s22], s20  }
0x9f: {  	s3 =	ssub.s32 $0x0, s20;
	[sflag:s22] =	ssyncset.done $0x0  }
0xa0: {  	[sflag:s22] =	ssyncadd.s32 s3;
	_ =	sdelay $0x1  }
0xa1: {  	s23 =	simm.s32 $0x1B8B  }
0xa2: {  	_ =	swait.ge [sflag:s23], $0x1  }
0xa3: {  	[sflag:s23] =	ssyncset.done $0x0  }
0xa4: {  	s25 =	simm.s32 $0x1B8E;
	s24 =	sld [smem:$0x3FFE];
	[sflag:s23] =	ssyncadd.s32 $0xFFFFFFFF  }
0xa5: {  	s26 =	simm.s32 $execute0_lowered;
	[smem:$0x3FD2] =	sst s25  }
0xa6: {  	s4 =	sshll.u32 s26, $0x1;
	_ =	strace $0x80000046;
	[dreg:$0x1] =	wrdreg $0xFFFFFFFF  }
0xa7: {  	s28 =	simm.s32 $_size_execute0_lowered;
	s2 =	sadd.s32 s2, s4;
	[dreg:$0x0] =	wrdreg $0x0  }
0xa8: {  	s4 =	sshll.u32 s28, $0x1;
	[dreg:$0x2] =	wrdreg s2  }
0xa9: {  	[dreg:$0x3] =	wrdreg s4  }
0xaa: {  	[dreg:$0x4] =	wrdreg $0xC0  }
0xab: {  	_ =	task [dreg:s6], $0x5FFFF  }
0xac: {  	[dreg:$0x1] =	wrdreg $0xFFFFFFFF  }
0xad: {  	[dreg:$0x0] =	wrdreg $0x60  }
0xae: {  	[dreg:$0x2] =	wrdreg s24  }
0xaf: {  	[dreg:$0x3] =	wrdreg $0x154000  }
0xb0: {  	[dreg:$0x4] =	wrdreg $0x9  }
0xb1: {  	_ =	task.clear_ibuf [dreg:s6], $0x5FFFF;
	_ =	strace $0x90000046  }
0xb2: {  	s29 =	simm.s32 $0x9;
	_ =	strace $0x80000048  }
0xb3: {  	_ =	swait.ge [sflag:s29], $0x1  }
0xb4: {  	[sflag:s29] =	ssyncadd.s32 $0xFFFFFFFF  }
0xb5: {  	_ =	strace $0x90000048  }
0xb6: {  	_ =	sfence  }
0xb7: {  	s30 =	sld [smem:$0x0];
	_ =	sdelay $0x2  }
0xb8: {  	s31 =	sshll.u32 s1, $0xD;
	s1 =	sshrl.u32 s1, $0x2  }
0xb9: {  	s3 =	sand.u32 $0x4000, s31;
	s1 =	sadd.s32 s1, s30  }
0xba: {  	s0 =	sor.u32 s3, s0;
	s1 =	sshll.u32 s1, $0x11  }
0xbb: {  	s0 =	sor.u32 s1, s0  }
0xbc: {  	s0 =	sadd.s32 $0x8F2B, s0  }
0xbd: {  	[sflag:s0] =	ssyncadd.remote.s32 $0x1  }
0xbe: {  	_ =	sfence.sel $0xFFFF  }
0xbf: {  	[dreg:$0x0] =	wrdreg $0xFFFFFFFF;
	(pc) =	sbr.abs _section_cstart, $3  }
0xc0: {  	[dreg:$0x1] =	wrdreg $0xFFFFFFFF  }
0xc1: {  	_ =	task.clear_ibuf [dreg:s6], $0x2FFFF;
	_ =	strace $0x9FFFFFFF  }
0xc2: {  	(tm) =	ssettm $0x7FFFFFFF  }
0xc3: {  	_ =	shalt  }
tec
execute0_lowered:
.L_overlay_start_1:
0x0: {  	(tag) =	ssettag $0x1  }
0x1: {  	s3 =	rddreg [dreg:$0x0];
	s0 =	srdreg.scid  }
0x2: {  	s6 =	stileid.u32;
	s2 =	rddreg [dreg:$0x1];
	s1 =	simm.s32 $0x0  }
0x3: {  	s14 =	simm.s32 $0x5;
	s4 =	sand.u32 $0x1, s0;
	s5 =	sshll.u32 s6, $0x1  }
0x4: {  	s12 =	simm.s32 $0xA00;
	s7 =	sor.u32 s4, s5;
	s4 =	ssub.s32 $0x2, s4  }
0x5: {  	s15 =	simm.s32 $0xB400;
	s13 =	simm.s32 $0x1;
	s10 =	sshrl.u32 s4, $0x1  }
0x6: {  	p1 =	por $0x0, $0x0;
	s0 =	rddreg [dreg:$0x2];
	s10 =	ssub.s32 s4, s10  }
0x7: {  	[smem:$0x7FF] =	sst s1;
	p0 =	sne.s32 s6, $0x0;
	s31 =	smax.u32 s10, $0x1  }
0x8: {  	s6 =	simm.s32 $0x4;
	s8 =	smul.u32 $0x280, s7;
	s19 =	sadd.s32 $0xFFFFFFFF, s31  }
0x9: {  	_ =	strace $0x80000047;
	s9 =	smul.u32 $0x13880, s7;
	p2 =	sne.s32 s19, $0x0  }
.Ltmp0:
0xa: {  	s5 =	sadd.s32 $0x2400, s3;
	s16 =	sshrl.u32 @!p0 s2, $0x3;
	(pc) =	sbr.rel @!p2 .LBB2_3-.Ltmp0, $4  }
0xb: {  	s11 =	smul.u32 $0x2710, s7;
	s8 =	sadd.s32 s8, s3;
	s3 =	sadd.s32 $0xC400, s3  }
0xc: {  	s30 =	sshrl.u32 s9, $0x3;
	s10 =	simm.s32 $0x2;
	s9 =	simm.s32 $0x3  }
0xd: {  	s7 =	sadd.s32 $0x7400, s8;
	s4 =	sadd.s32 s3, s11;
	s3 =	sadd.s32 s3, s30  }
0xe: {  	s8 =	simm.s32 $0x1400;
	s11 =	simm.s32 $0xB040;
	s3 =	sadd.s32 $0x1388, s3  }
0xf: {  	s17 =	simm.s32 @!p0 $0x1C05;
	s18 =	simm.s32 @!p0 $0x5  }
0x10: {  	[spmem:s16], [sflag:s17] =	dma.local @!p0 [hbm:s5], $0x4E20  }
0x11: {  	_ =	swait.ge @!p0 [sflag:s18], $0x4E20  }
0x12: {  	[sflag:s18] =	ssyncset.done @!p0 $0x0  }
0x13: {  	[sflag:s18] =	ssyncadd.s32 @!p0 $0xFFFFB1E0  }
0x14: {  	[tilespmem:s1], [sflag:$0x5] =	stream.linear.gather [hbm4b:s7+s1], $0x1400, $0x38;
	[tilespmem:$0x17B10] =	vst v63  }
0x15: {  	_ =	swait.ge [sflag:s14], $0x1400  }
0x16: {  	[sflag:s14] =	ssyncset.done $0x0  }
0x17: {  	[sflag:s14] =	ssyncadd.s32 $0xFFFFEC00  }
0x18: {  	[bflag:$0x0] =	sbarrier.arrive $0xFFFF  }
0x19: {  	[tilespmem:s8], [sflag:$0x1] =	stream.indirect.gather [spmem:s2], $0x10, s1, s12, $0xb8;
	[tilespmem:$0x17B10] =	vst v63  }
0x1a: {  	_ = 	snop  }
0x1b: {  	[tilespmem:s15], [sflag:$0x2] =	stream.indirect.gather [spmem:s2], $0x10, s12, s12, $0xb8;
	[tilespmem:$0x17B10] =	vst v63  }
0x1c: {  	_ =	swait.ge [sflag:s13], $0xA000  }
0x1d: {  	[sflag:s13] =	ssyncset.done $0x0  }
0x1e: {  	[sflag:s13] =	ssyncadd.s32 $0xFFFF6000  }
0x1f: {  	[hbm4b:s4+s1] =	stream.linear.scatter [tilespmem:s8], [sflag:$0x3], $0x9C40, $0x38;
	[tilespmem:$0x17B10] =	vst v63  }
0x20: {  	_ =	swait.ge [sflag:s10], $0xA000  }
0x21: {  	s19 =	sadd.s32 $0xFFFFFFFF, s19;
	[sflag:s10] =	ssyncset.done $0x0  }
0x22: {  	p2 =	sne.s32 s19, $0x0;
	[sflag:s10] =	ssyncadd.s32 $0xFFFF6000  }
0x23: {  	[hbm4b:s3+s1] =	stream.linear.scatter [tilespmem:s11], [sflag:$0x4], $0x9C40, $0x38;
	[tilespmem:$0x17B10] =	vst v63  }
.Ltmp1:
0x24: {  	_ =	swait.ge [sflag:s9], $0x9C40;
	(pc) =	sbr.rel @!p2 .LBB2_3-.Ltmp1, $4  }
0x25: {  	[sflag:s9] =	ssyncset.done $0x0  }
0x26: {  	[sflag:s9] =	ssyncadd.s32 $0xFFFF63C0  }
0x27: {  	_ =	swait.ge [sflag:s6], $0x9C40  }
0x28: {  	p1 =	por $0x1, $0x1;
	[sflag:s6] =	ssyncset.done $0x0  }
.LBB2_2:
0x29: {  	[sflag:s6] =	ssyncadd.s32 $0xFFFF63C0  }
0x2a: {  	[spmem:s16], [sflag:s17] =	dma.local @!p0 [hbm:s5], $0x4E20  }
0x2b: {  	s19 =	sadd.s32 $0xFFFFFFFF, s19;
	_ =	swait.ge @!p0 [sflag:s18], $0x4E20  }
0x2c: {  	p2 =	sne.s32 s19, $0x0;
	[sflag:s18] =	ssyncset.done @!p0 $0x0  }
0x2d: {  	[sflag:s18] =	ssyncadd.s32 @!p0 $0xFFFFB1E0  }
0x2e: {  	[tilespmem:s1], [sflag:$0x5] =	stream.linear.gather [hbm4b:s7+s1], $0x1400, $0x38;
	[tilespmem:$0x17B10] =	vst v63  }
0x2f: {  	_ =	swait.ge [sflag:s14], $0x1400  }
0x30: {  	[sflag:s14] =	ssyncset.done $0x0  }
0x31: {  	[sflag:s14] =	ssyncadd.s32 $0xFFFFEC00  }
0x32: {  	[bflag:$0x0] =	sbarrier.arrive $0xFFFF  }
0x33: {  	[tilespmem:s8], [sflag:$0x1] =	stream.indirect.gather [spmem:s2], $0x10, s1, s12, $0xb8;
	[tilespmem:$0x17B10] =	vst v63  }
0x34: {  	_ = 	snop  }
0x35: {  	[tilespmem:s15], [sflag:$0x2] =	stream.indirect.gather [spmem:s2], $0x10, s12, s12, $0xb8;
	[tilespmem:$0x17B10] =	vst v63  }
0x36: {  	_ =	swait.ge [sflag:s13], $0xA000  }
0x37: {  	[sflag:s13] =	ssyncset.done $0x0  }
0x38: {  	[sflag:s13] =	ssyncadd.s32 $0xFFFF6000  }
0x39: {  	[hbm4b:s4+s1] =	stream.linear.scatter [tilespmem:s8], [sflag:$0x3], $0x9C40, $0x38;
	[tilespmem:$0x17B10] =	vst v63  }
0x3a: {  	_ =	swait.ge [sflag:s10], $0xA000  }
0x3b: {  	[sflag:s10] =	ssyncset.done $0x0  }
0x3c: {  	[sflag:s10] =	ssyncadd.s32 $0xFFFF6000  }
0x3d: {  	[hbm4b:s3+s1] =	stream.linear.scatter [tilespmem:s11], [sflag:$0x4], $0x9C40, $0x38;
	[tilespmem:$0x17B10] =	vst v63  }
.Ltmp2:
0x3e: {  	_ =	swait.ge [sflag:s9], $0x9C40;
	(pc) =	sbr.rel @p2 .LBB2_2-.Ltmp2, $4  }
0x3f: {  	[sflag:s9] =	ssyncset.done $0x0  }
0x40: {  	[sflag:s9] =	ssyncadd.s32 $0xFFFF63C0  }
0x41: {  	_ =	swait.ge [sflag:s6], $0x9C40  }
0x42: {  	[sflag:s6] =	ssyncset.done $0x0  }
.LBB2_3:
0x43: {  	s17 =	simm.s32 @!p0 $0x1C05;
	s18 =	simm.s32 @!p0 $0x5;
	[sflag:s6] =	ssyncadd.s32 @p1 $0xFFFF63C0  }
0x44: {  	[spmem:s16], [sflag:s17] =	dma.local @!p0 [hbm:s5], $0x4E20  }
0x45: {  	_ =	swait.ge @!p0 [sflag:s18], $0x4E20  }
0x46: {  	[sflag:s18] =	ssyncset.done @!p0 $0x0  }
0x47: {  	[sflag:s18] =	ssyncadd.s32 @!p0 $0xFFFFB1E0  }
0x48: {  	[tilespmem:s1], [sflag:$0x5] =	stream.linear.gather [hbm4b:s7+s1], $0x1400, $0x38;
	[tilespmem:$0x17B10] =	vst v63  }
0x49: {  	_ =	swait.ge [sflag:s14], $0x1400  }
0x4a: {  	[sflag:s14] =	ssyncset.done $0x0  }
0x4b: {  	[sflag:s14] =	ssyncadd.s32 $0xFFFFEC00  }
0x4c: {  	[bflag:$0x0] =	sbarrier.arrive $0xFFFF  }
0x4d: {  	[tilespmem:s8], [sflag:$0x1] =	stream.indirect.gather [spmem:s2], $0x10, s1, s12, $0xb8;
	[tilespmem:$0x17B10] =	vst v63  }
0x4e: {  	_ = 	snop  }
0x4f: {  	[tilespmem:s15], [sflag:$0x2] =	stream.indirect.gather [spmem:s2], $0x10, s12, s12, $0xb8;
	[tilespmem:$0x17B10] =	vst v63  }
0x50: {  	_ =	swait.ge [sflag:s13], $0xA000  }
0x51: {  	[sflag:s13] =	ssyncset.done $0x0  }
0x52: {  	[sflag:s13] =	ssyncadd.s32 $0xFFFF6000  }
0x53: {  	[hbm4b:s4+s1] =	stream.linear.scatter [tilespmem:s8], [sflag:$0x3], $0x9C40, $0x38;
	[tilespmem:$0x17B10] =	vst v63  }
0x54: {  	_ =	swait.ge [sflag:s10], $0xA000  }
0x55: {  	[sflag:s10] =	ssyncset.done $0x0  }
0x56: {  	[sflag:s10] =	ssyncadd.s32 $0xFFFF6000  }
0x57: {  	[hbm4b:s3+s1] =	stream.linear.scatter [tilespmem:s11], [sflag:$0x4], $0x9C40, $0x38;
	[tilespmem:$0x17B10] =	vst v63  }
0x58: {  	_ =	swait.ge [sflag:s9], $0x9C40  }
0x59: {  	[sflag:s9] =	ssyncset.done $0x0  }
0x5a: {  	[sflag:s9] =	ssyncadd.s32 $0xFFFF63C0  }
0x5b: {  	_ =	swait.ge [sflag:s6], $0x9C40  }
0x5c: {  	[sflag:s6] =	ssyncset.done $0x0  }
0x5d: {  	[sflag:s6] =	ssyncadd.s32 $0xFFFF63C0  }
0x5e: {  	_ =	sfence.sel $0x180000  }
0x5f: {  	[bflag:$0x0] =	sbarrier.arrive $0xFFFF  }
0x60: {  	_ =	strace $0x90000047  }
0x61: {  	s0 =	sadd.s32 @!p0 $0x100000, s0;
	[bflag:$0x2] =	sbarrier.arrive $0xFFFF  }
0x62: {  	[sflag:s0] =	ssyncadd.tile.s32 @!p0 $0x1;
	_ =	shalt  }
.Lfunc_end2:
_tile_overlayer_lowered:
.L_overlay_start_2:
0x63: {  	(tag) =	ssettag $0x2  }
0x64: {  	s0 =	rddreg [dreg:$0x0];
	s2 =	stileid.u32  }
0x65: {  	s1 =	rddreg [dreg:$0x1];
	p0 =	sne.s32 s2, $0x0  }
0x66: {  	s3 =	rddreg [dreg:$0x2];
	[bflag:$0x3] =	sbarrier.arrive $0xFFFF;
	s2 =	simm.s32 @!p0 $0x1C05  }
0x67: {  	[timem:s3], [sflag:s2] =	dma.local @!p0 [hbm:s0], s1  }
0x68: {  	s0 =	simm.s32 @!p0 $0x5  }
0x69: {  	_ =	swait.ge @!p0 [sflag:s0], s1  }
0x6a: {  	s1 =	ssub.s32 @!p0 $0x0, s1;
	[sflag:s0] =	ssyncset.done @!p0 $0x0  }
0x6b: {  	[sflag:s0] =	ssyncadd.s32 @!p0 s1  }
0x6c: {  	[bflag:$0x3] =	sbarrier.arrive $0xFFFF  }
0x6d: {  	_ =	shalt  }

// kernel: kernel.8.cloned.1.call-start
scs
__scs_entry_jumppad:
0x0: {  	(pc) =	sbr.rel $0x88, $3  }
0x1: {  	(tag) =	ssettag $0x0;
	lr =	simm.s32 $0x1  }
0x2: {  	[smem:$0x3F9A] =	sst lr;
	_ =	strace $0xD0000000  }
0x3: {  	_ = 	snop  }
0x4: {  	_ = 	snop  }
0x5: {  	_ = 	snop  }
0x6: {  	_ = 	snop  }
0x7: {  	_ = 	snop  }
__scs_overlays_trampoline_lowered:
0x8: {  	[smem:$0x3FA9] =	sst s0  }
0x9: {  	[smem:$0x3FAA] =	sst s1  }
0xa: {  	[smem:$0x3FAB] =	sst s2  }
0xb: {  	[smem:$0x3FAC] =	sst s3  }
0xc: {  	[smem:$0x3FAD] =	sst s4  }
0xd: {  	[smem:$0x3FAE] =	sst s5  }
0xe: {  	[smem:$0x3FAF] =	sst s6  }
0xf: {  	[smem:$0x3FB0] =	sst s7  }
0x10: {  	[smem:$0x3FB1] =	sst s8  }
0x11: {  	[smem:$0x3FB2] =	sst s9;
	s0 =	simm.s32 @!p0 $0x0  }
0x12: {  	s1 =	sld [smem:$0x3F98];
	s0 =	simm.s32 @p0 $0x1  }
0x13: {  	[smem:$0x3FB3] =	sst s0;
	s0 =	simm.s32 @!p1 $0x0  }
0x14: {  	s2 =	sld [smem:$0x3F97];
	s0 =	simm.s32 @p1 $0x1  }
0x15: {  	[smem:$0x3FB4] =	sst s0;
	s0 =	simm.s32 @!p2 $0x0  }
0x16: {  	s3 =	sld [smem:$0x3FDB];
	s0 =	simm.s32 @p2 $0x1  }
0x17: {  	s4 =	simm.s32 $0x1BF5;
	[smem:$0x3FB6] =	sst s0  }
0x18: {  	s0 =	sld [smem:$0x3F99];
	_ =	swait.ge [sflag:s4], $0x0  }
0x19: {  	s7 =	sld [smem:$0x3F9A]  }
0x1a: {  	s8 =	sadd.s32 $0xFFFFE003, lr  }
0x1b: {  	s9 =	sadd.s32 $0xFFFFFEF7, lr;
	s5 =	simm.s32 $0xFFFFFFFF;
	p2 =	slt.u32 s8, $0xFFFFF086  }
0x1c: {  	p1 =	slt.u32 s9, $0xF7A;
	s5 =	simm.s32 @!p2 $0x0  }
0x1d: {  	s5 =	simm.s32 @p1 $0x1;
	p0 =	seq.s32 s7, s2  }
0x1e: {  	s7 =	smul.u32 @!p0 $0xF7A, s2;
	p2 =	seq.s32 @!p0 s5, $0x0  }
0x1f: {  	s9 =	smul.u32 $0xF7A, s1;
	s8 =	simm.s32 @!p0 $0x1BF5;
	p2 =	por !p2, p0  }
0x20: {  	[sflag:s8] =	ssyncset.s32 @!p0 $0xFFFFF086;
	s6 =	sadd.s32 @!p0 s3, s7;
	s7 =	simm.s32 @!p0 $0x108  }
0x21: {  	s3 =	sadd.s32 s3, s9;
	s6 =	sadd.s32 @!p0 $0x88, s6;
	s7 =	simm.s32 @p2 $0x1082  }
0x22: {  	[simem:s7], [sflag:s8] =	dma.local @!p0 [hbm:s6], $0xF7A  }
0x23: {  	s9 =	sor.u32 $0xD0000000, s2;
	s6 =	simm.s32 $0x108;
	_ =	swait.ge @!p0 [sflag:s8], $0x0  }
0x24: {  	s3 =	sadd.s32 $0x88, s3;
	s6 =	simm.s32 @!p1 $0x1082;
	[sflag:s4] =	ssyncset.s32 $0xFFFFF086  }
0x25: {  	[simem:s6], [sflag:s4] =	dma.local [hbm:s3], $0xF7A  }
0x26: {  	[smem:$0x3F9A] =	sst s1;
	(tag) =	ssettag s2;
	_ =	strace s9  }
0x27: {  	s1 =	sld [smem:$0x3FAA]  }
0x28: {  	s2 =	sld [smem:$0x3FAB]  }
0x29: {  	s4 =	sld [smem:$0x3FAD]  }
0x2a: {  	p0 =	seq.s32 s5, $0x0;
	s5 =	sld [smem:$0x3FAE]  }
0x2b: {  	s6 =	sld [smem:$0x3FAF]  }
0x2c: {  	s7 =	sld [smem:$0x3FB0]  }
0x2d: {  	s3 =	simm.s32 $0x108;
	s8 =	sld [smem:$0x3FB1]  }
0x2e: {  	s3 =	simm.s32 @!p0 $0x1082;
	s9 =	sld [smem:$0x3FB2]  }
0x2f: {  	lr =	sadd.s32 s0, s3;
	s0 =	sld [smem:$0x3FA9]  }
0x30: {  	s3 =	sld [smem:$0x3FAC]  }
0x31: {  	[smem:$0x3FB5] =	sst s10  }
0x32: {  	s10 =	sld [smem:$0x3FB3];
	_ =	sdelay $0x3  }
0x33: {  	p0 =	seq.s32 s10, $0x1;
	s10 =	sld [smem:$0x3FB5];
	_ =	sdelay $0x3  }
0x34: {  	[smem:$0x3FB5] =	sst s10  }
0x35: {  	s10 =	sld [smem:$0x3FB4];
	_ =	sdelay $0x3  }
0x36: {  	p1 =	seq.s32 s10, $0x1;
	s10 =	sld [smem:$0x3FB5];
	_ =	sdelay $0x3  }
0x37: {  	[smem:$0x3FB5] =	sst s10  }
0x38: {  	s10 =	sld [smem:$0x3FB6]  }
0x39: {  	_ = 	snop;
	(pc) =	sbr.ind lr, $3  }
0x3a: {  	_ = 	snop  }
0x3b: {  	_ = 	snop  }
0x3c: {  	p2 =	seq.s32 s10, $0x1;
	s10 =	sld [smem:$0x3FB5]  }
0x3d: {  	_ =	shalt  }
0x3e: {  	_ =	shalt  }
0x3f: {  	_ =	shalt  }
0x40: {  	_ =	shalt  }
0x41: {  	_ =	shalt  }
0x42: {  	_ =	shalt  }
0x43: {  	_ =	shalt  }
0x44: {  	_ =	shalt  }
0x45: {  	_ =	shalt  }
0x46: {  	_ =	shalt  }
0x47: {  	_ =	shalt  }
0x48: {  	_ =	shalt  }
0x49: {  	_ =	shalt  }
0x4a: {  	_ =	shalt  }
0x4b: {  	_ =	shalt  }
0x4c: {  	_ =	shalt  }
0x4d: {  	_ =	shalt  }
0x4e: {  	_ =	shalt  }
0x4f: {  	_ =	shalt  }
0x50: {  	_ =	shalt  }
0x51: {  	_ =	shalt  }
0x52: {  	_ =	shalt  }
0x53: {  	_ =	shalt  }
0x54: {  	_ =	shalt  }
0x55: {  	_ =	shalt  }
0x56: {  	_ =	shalt  }
0x57: {  	_ =	shalt  }
0x58: {  	_ =	shalt  }
0x59: {  	_ =	shalt  }
0x5a: {  	_ =	shalt  }
0x5b: {  	_ =	shalt  }
0x5c: {  	_ =	shalt  }
0x5d: {  	_ =	shalt  }
0x5e: {  	_ =	shalt  }
0x5f: {  	_ =	shalt  }
0x60: {  	_ =	shalt  }
0x61: {  	_ =	shalt  }
0x62: {  	_ =	shalt  }
0x63: {  	_ =	shalt  }
0x64: {  	_ =	shalt  }
0x65: {  	_ =	shalt  }
0x66: {  	_ =	shalt  }
0x67: {  	_ =	shalt  }
0x68: {  	_ =	shalt  }
0x69: {  	_ =	shalt  }
0x6a: {  	_ =	shalt  }
0x6b: {  	_ =	shalt  }
0x6c: {  	_ =	shalt  }
0x6d: {  	_ =	shalt  }
0x6e: {  	_ =	shalt  }
0x6f: {  	_ =	shalt  }
0x70: {  	_ =	shalt  }
0x71: {  	_ =	shalt  }
0x72: {  	_ =	shalt  }
0x73: {  	_ =	shalt  }
0x74: {  	_ =	shalt  }
0x75: {  	_ =	shalt  }
0x76: {  	_ =	shalt  }
0x77: {  	_ =	shalt  }
0x78: {  	_ =	shalt  }
0x79: {  	_ =	shalt  }
0x7a: {  	_ =	shalt  }
0x7b: {  	_ =	shalt  }
0x7c: {  	_ =	shalt  }
0x7d: {  	_ =	shalt  }
0x7e: {  	_ =	shalt  }
0x7f: {  	_ =	shalt  }
0x80: {  	_ =	shalt  }
0x81: {  	_ =	shalt  }
0x82: {  	_ =	shalt  }
0x83: {  	_ =	shalt  }
0x84: {  	_ =	shalt  }
0x85: {  	_ =	shalt  }
0x86: {  	_ =	shalt  }
0x87: {  	_ =	shalt  }
.Lfunc_end0:
.L_simem_size_0:
called_computation.1_lowered:
.L_overlay_start_0:
0x88: {  	s0 =	sld [smem:$0x3FD9]  }
0x89: {  	s1 =	sld [smem:$0x3FFE];
	_ =	sdelay $0x3  }
0x8a: {  	s0 =	sadd.s32 s1, s0  }
0x8b: {  	[smem:$0x3FC1] =	sst s0  }
0x8c: {  	_ = 	snop  }
0x8d: {  	s0 =	sld [smem:$0x3FD0];
	(tm) =	ssettm $0x1  }
0x8e: {  	s16 =	sld [smem:$0x3FFB];
	_ =	sdelay $0x3  }
0x8f: {  	_ =	strace s16  }
0x90: {  	s1 =	sld [smem:$0x3FFC];
	_ =	sdelay $0x3  }
0x91: {  	_ =	strace s1  }
0x92: {  	s1 =	sld [smem:$0x3FFD];
	_ =	sdelay $0x3  }
0x93: {  	_ =	strace s1  }
0x94: {  	_ =	strace $0x8FFFFFFF  }
0x95: {  	s17 =	sld [smem:$0x3FDB];
	_ =	sdelay $0x1  }
0x96: {  	s2 =	simm.s32 $_scs_section_size  }
0x97: {  	s3 =	simm.s32 $_size__tile_overlayer_lowered;
	s4 =	simm.s32 $_tile_overlayer_lowered  }
0x98: {  	s20 =	simm.s32 $0x1BFF;
	s19 =	sshll.u32 s4, $0x1;
	s1 =	sadd.s32 s2, s17  }
0x99: {  	s5 =	simm.s32 $0x0;
	s18 =	sshll.u32 s3, $0x1;
	s3 =	sadd.s32 s19, s1  }
0x9a: {  	[timem:s5], [sflag:s20] =	dma.local [hbm:s3], s18  }
0x9b: {  	_ =	swait.ge [sflag:s20], s18  }
0x9c: {  	s2 =	ssub.s32 $0x0, s18;
	[sflag:s20] =	ssyncset.done $0x0  }
0x9d: {  	[sflag:s20] =	ssyncadd.s32 s2;
	_ =	sdelay $0x1  }
0x9e: {  	s21 =	simm.s32 $0x1B8B  }
0x9f: {  	_ =	swait.ge [sflag:s21], $0x1  }
0xa0: {  	[sflag:s21] =	ssyncset.done $0x0  }
0xa1: {  	s23 =	simm.s32 $0x1B8E;
	s22 =	sld [smem:$0x3FFE];
	[sflag:s21] =	ssyncadd.s32 $0xFFFFFFFF  }
0xa2: {  	s24 =	simm.s32 $execute0_lowered;
	[smem:$0x3FD2] =	sst s23  }
0xa3: {  	s3 =	sshll.u32 s24, $0x1;
	_ =	strace $0x80000049;
	[dreg:$0x1] =	wrdreg $0xFFFFFFFF  }
0xa4: {  	s25 =	simm.s32 $_size_execute0_lowered;
	s1 =	sadd.s32 s1, s3;
	[dreg:$0x0] =	wrdreg $0x0  }
0xa5: {  	s3 =	sshll.u32 s25, $0x1;
	[dreg:$0x2] =	wrdreg s1  }
0xa6: {  	[dreg:$0x3] =	wrdreg s3  }
0xa7: {  	[dreg:$0x4] =	wrdreg $0xC0  }
0xa8: {  	_ =	task [dreg:s5], $0x5FFFF  }
0xa9: {  	[dreg:$0x1] =	wrdreg $0xFFFFFFFF  }
0xaa: {  	[dreg:$0x0] =	wrdreg $0x60  }
0xab: {  	[dreg:$0x2] =	wrdreg s22  }
0xac: {  	[dreg:$0x3] =	wrdreg s0  }
0xad: {  	[dreg:$0x4] =	wrdreg $0x168000  }
0xae: {  	[dreg:$0x5] =	wrdreg $0x9  }
0xaf: {  	_ =	task.clear_ibuf [dreg:s5], $0x6FFFF;
	_ =	strace $0x90000049  }
0xb0: {  	s26 =	simm.s32 $0x9;
	_ =	strace $0x8000004B  }
0xb1: {  	_ =	swait.ge [sflag:s26], $0x1  }
0xb2: {  	[sflag:s26] =	ssyncadd.s32 $0xFFFFFFFF  }
0xb3: {  	_ =	strace $0x9000004B  }
0xb4: {  	_ =	sfence  }
0xb5: {  	s28 =	sld [smem:$0x0];
	_ =	sdelay $0x1  }
0xb6: {  	s29 =	srdreg.scid  }
0xb7: {  	s30 =	sshll.u32 s29, $0xD;
	s31 =	sshrl.u32 s29, $0x2  }
0xb8: {  	s2 =	sand.u32 $0x4000, s30;
	s1 =	sand.u32 $0x1, s29;
	s0 =	sadd.s32 s31, s28  }
0xb9: {  	s1 =	sor.u32 s2, s1;
	s0 =	sshll.u32 s0, $0x11  }
0xba: {  	s0 =	sor.u32 s0, s1  }
0xbb: {  	s0 =	sadd.s32 $0x8F2B, s0  }
0xbc: {  	[sflag:s0] =	ssyncadd.remote.s32 $0x1  }
0xbd: {  	_ =	sfence.sel $0xFFFF  }
0xbe: {  	[dreg:$0x0] =	wrdreg $0xFFFFFFFF;
	(pc) =	sbr.abs _section_cstart, $3  }
0xbf: {  	[dreg:$0x1] =	wrdreg $0xFFFFFFFF  }
0xc0: {  	_ =	task.clear_ibuf [dreg:s5], $0x2FFFF;
	_ =	strace $0x9FFFFFFF  }
0xc1: {  	(tm) =	ssettm $0x7FFFFFFF  }
tec
execute0_lowered:
.L_overlay_start_1:
0x0: {  	(tag) =	ssettag $0x1  }
0x1: {  	s5 =	rddreg [dreg:$0x0];
	s4 =	stileid.u32  }
0x2: {  	s6 =	rddreg [dreg:$0x1];
	s2 =	smul.u32 $0x500, s4  }
0x3: {  	s1 =	rddreg [dreg:$0x2];
	s7 =	simm.s32 $0x0  }
0x4: {  	[smem:$0x7FF] =	sst s7;
	s2 =	sadd.s32 s2, s5  }
0x5: {  	s0 =	rddreg [dreg:$0x3];
	_ =	strace $0x8000004A;
	s2 =	sadd.s32 $0x2CB600, s2  }
0x6: {  	[tilespmem:s7], [sflag:$0x1] =	stream.linear.gather [hbm4b:s2+s7], $0x2800, $0x38;
	[tilespmem:$0x17B88] =	vst v63  }
0x7: {  	s3 =	smul.u32 $0x2710, s4;
	s2 =	simm.s32 $0x1  }
0x8: {  	_ =	swait.ge [sflag:s2], $0x2800  }
0x9: {  	s3 =	sadd.s32 s3, s5;
	[sflag:s2] =	ssyncset.done $0x0  }
0xa: {  	s8 =	sadd.s32 $0x2D0600, s3;
	s3 =	simm.s32 $0x2800;
	[sflag:s2] =	ssyncadd.s32 $0xFFFFD800  }
0xb: {  	[tilespmem:s3], [sflag:$0x1] =	stream.linear.gather [hbm4b:s8+s7], $0x13880, $0x38;
	[tilespmem:$0x17B88] =	vst v63  }
0xc: {  	_ =	swait.ge [sflag:s2], $0x13880  }
0xd: {  	[sflag:s2] =	ssyncset.done $0x0  }
0xe: {  	s30 =	simm.s32 $0x16080;
	[sflag:s2] =	ssyncadd.s32 $0xFFFEC780  }
0xf: {  	[tilespmem:s30], [sflag:$0x1] =	stream.linear.gather [hbm4b:s6+s7], $0x780, $0x38;
	[tilespmem:$0x17B88] =	vst v63  }
0x10: {  	_ =	swait.ge [sflag:s2], $0x780  }
0x11: {  	p0 =	sne.s32 s4, $0x0;
	[sflag:s2] =	ssyncset.done $0x0  }
0x12: {  	s4 =	sshrl.u32 @!p0 s1, $0x3;
	s7 =	simm.s32 @!p0 $0x1C01;
	[sflag:s2] =	ssyncadd.s32 $0xFFFFF880  }
0x13: {  	[spmem:s4], [sflag:s7] =	dma.local @!p0 [hbm:s6], $0x2710  }
0x14: {  	s6 =	simm.s32 @!p0 $0x1  }
0x15: {  	_ =	swait.ge @!p0 [sflag:s6], $0x2710  }
0x16: {  	[sflag:s6] =	ssyncset.done @!p0 $0x0  }
0x17: {  	[sflag:s6] =	ssyncadd.s32 @!p0 $0xFFFFD8F0  }
0x18: {  	s31 =	simm.s32 $0x0;
	s6 =	simm.s32 $0x80;
	[bflag:$0x0] =	sbarrier.arrive $0xFFFF  }
0x19: {  	[spmem:s1] =	stream.indirect.scatter.add.f32 [tilespmem:s3], [sflag:$0x1], $0x8, s31, s6, $0xb8;
	[tilespmem:$0x17B88] =	vst v63  }
0x1a: {  	_ =	swait.ge [sflag:s2], $0x400  }
0x1b: {  	s5 =	sadd.s32 $0x2400, s5;
	s7 =	simm.s32 $0x200;
	[sflag:s2] =	ssyncset.done $0x0  }
.LBB2_1:
0x1c: {  	s8 =	sshra.s32 s7, $0x2  }
0x1d: {  	[sflag:s2] =	ssyncadd.s32 $0xFFFFFC00;
	s3 =	sadd.s32 $0x400, s3;
	p1 =	sne.s32 s7, $0x9E00  }
0x1e: {  	[spmem:s1] =	stream.indirect.scatter.add.f32 [tilespmem:s3], [sflag:$0x1], $0x8, s8, s6, $0xb8;
	[tilespmem:$0x17B88] =	vst v63  }
.Ltmp0:
0x1f: {  	_ = 	snop;
	(pc) =	sbr.rel @p1 .LBB2_1-.Ltmp0, $4  }
0x20: {  	_ = 	snop  }
0x21: {  	s7 =	sadd.s32 $0x200, s7  }
0x22: {  	_ =	swait.ge [sflag:s2], $0x400  }
0x23: {  	[sflag:s2] =	ssyncset.done $0x0  }
0x24: {  	[sflag:s2] =	ssyncadd.s32 $0xFFFFFC00  }
0x25: {  	[bflag:$0x0] =	sbarrier.arrive $0xFFFF  }
0x26: {  	_ =	sfence.sel @p0 $0x180000  }
0x27: {  	[bflag:$0x0] =	sbarrier.arrive @p0 $0xFFFF  }
0x28: {  	_ =	strace @p0 $0x9000004A  }
0x29: {  	s1 =	simm.s32 @!p0 $0x1C01;
	[bflag:$0x2] =	sbarrier.arrive @p0 $0xFFFF  }
0x2a: {  	[hbm:s5], [sflag:s1] =	dma.local @!p0 [spmem:s4], $0x2710  }
0x2b: {  	s1 =	simm.s32 @!p0 $0x1  }
0x2c: {  	_ =	swait.ge @!p0 [sflag:s1], $0x2710  }
0x2d: {  	[sflag:s1] =	ssyncset.done @!p0 $0x0  }
0x2e: {  	[sflag:s1] =	ssyncadd.s32 @!p0 $0xFFFFD8F0  }
0x2f: {  	_ =	sfence.sel @!p0 $0x180000  }
0x30: {  	[bflag:$0x0] =	sbarrier.arrive @!p0 $0xFFFF  }
0x31: {  	_ =	strace @!p0 $0x9000004A  }
0x32: {  	s0 =	sadd.s32 @!p0 $0x100000, s0;
	[bflag:$0x2] =	sbarrier.arrive @!p0 $0xFFFF  }
0x33: {  	[sflag:s0] =	ssyncadd.tile.s32 @!p0 $0x1;
	_ =	shalt  }
.Lfunc_end2:
_tile_overlayer_lowered:
.L_overlay_start_2:
0x34: {  	(tag) =	ssettag $0x2  }
0x35: {  	s0 =	rddreg [dreg:$0x0];
	s2 =	stileid.u32  }
0x36: {  	s1 =	rddreg [dreg:$0x1];
	p0 =	sne.s32 s2, $0x0  }
0x37: {  	s3 =	rddreg [dreg:$0x2];
	[bflag:$0x3] =	sbarrier.arrive $0xFFFF;
	s2 =	simm.s32 @!p0 $0x1C01  }
0x38: {  	[timem:s3], [sflag:s2] =	dma.local @!p0 [hbm:s0], s1  }
0x39: {  	s0 =	simm.s32 @!p0 $0x1  }
0x3a: {  	_ =	swait.ge @!p0 [sflag:s0], s1  }
0x3b: {  	s1 =	ssub.s32 @!p0 $0x0, s1;
	[sflag:s0] =	ssyncset.done @!p0 $0x0  }
0x3c: {  	[sflag:s0] =	ssyncadd.s32 @!p0 s1  }
0x3d: {  	[bflag:$0x3] =	sbarrier.arrive $0xFFFF  }
0x3e: {  	_ =	shalt  }

</sc_bundles>
